<compile_context>
chip_gen: v7x
topology: tpu7x:2x2x1
jax: 0.10.2.dev20260603
libtpu: 0.0.44.dev20260713+nightly
codegen_flags: <defaults>
</compile_context>

<pallas_src>
import jax
import jax.numpy as jnp
from jax import lax
from jax.experimental import pallas as pl
from jax.experimental.pallas import tpu as pltpu
from jax.experimental.pallas import tpu_sc as plsc

N = 16384
D = 256
L = 16
NC, NS = 2, 16
NW = NC * NS
CPW = D // NW
CH = 4
EPC = N // CH
VPC = EPC // L
HB = EPC
CHAIN_MASK = -EPC
IDX_BITS = 14
IDX_MASK = (1 << IDX_BITS) - 1
INV_N1 = 1.0 / (N + 1)


def _transform(k):
  m = jnp.right_shift(k, 31)
  return k ^ (m | jnp.int32(-(2 ** 31)))


def _shr(k_i32, shift):
  ku = plsc.bitcast(k_i32, jnp.uint32)
  return plsc.bitcast(ku >> shift, jnp.int32)


def _zero(hist, nwords):
  def body(b, c):
    hist[pl.ds(b * L, L)] = jnp.zeros((L,), jnp.int32)
    return c
  lax.fori_loop(0, nwords // L, body, 0, unroll=8)


def _merge(hist, nbins):
  def body(b, carry):
    cs = [hist[pl.ds(h * HB + b * L, L)] for h in range(CH)]
    partials = [cs[0]]
    for h in range(1, CH):
      partials.append(partials[-1] + cs[h])
    t = partials[-1]
    s = plsc.cumsum(t)
    excl = s - t + carry
    hist[pl.ds(0 * HB + b * L, L)] = excl
    for h in range(1, CH):
      hist[pl.ds(h * HB + b * L, L)] = excl + partials[h - 1]
    return carry + jnp.sum(t)
  lax.fori_loop(0, nbins // L, body, jnp.int32(-1))


def _count_pre(hist, ds):
  scans = [plsc.scan_count(d) for d in ds]
  bases = [plsc.load_gather(hist, [d]) for d in ds]
  return scans, bases


def _count_commit(hist, ds, scans, bases):
  for h in range(CH):
    cnt, last_m = scans[h]
    plsc.store_scatter(hist, [ds[h]], bases[h] + cnt, mask=last_m)


def _histn(src, hist, extract):
  def body(i, c):
    ks = [src[pl.ds(h * EPC + i * L, L)] for h in range(CH)]
    ds = [extract(ks[h]) + (h * HB) for h in range(CH)]
    scans, bases = _count_pre(hist, ds)
    _count_commit(hist, ds, scans, bases)
    return c
  lax.fori_loop(0, VPC, body, 0)


def _d0(k):
  return _transform(k) & 0x7FF


def _d1(k):
  return _shr(k, 11) & 0x7FF


def _d2(p):
  return _shr(p, IDX_BITS)


def _perm1(src, dst_k, dst_v, h_cur):
  def body(i, c):
    ks = [_transform(src[pl.ds(h * EPC + i * L, L)]) for h in range(CH)]
    d0s = [(ks[h] & 0x7FF) + (h * HB) for h in range(CH)]
    scans0, bases0 = _count_pre(h_cur, d0s)
    poss = [bases0[h] + scans0[h][0] for h in range(CH)]
    _count_commit(h_cur, d0s, scans0, bases0)
    for h in range(CH):
      plsc.store_scatter(dst_k, [poss[h]], ks[h])
      v = lax.iota(jnp.int32, L) + (h * EPC + i * L)
      plsc.store_scatter(dst_v, [poss[h]], v)
    return c
  lax.fori_loop(0, VPC, body, 0)


def _perm2(src_k, src_v, dst_k, h_cur):
  def body(i, c):
    ks = [src_k[pl.ds(h * EPC + i * L, L)] for h in range(CH)]
    vs = [src_v[pl.ds(h * EPC + i * L, L)] for h in range(CH)]
    d1s = [(_shr(ks[h], 11) & 0x7FF) + (h * HB) for h in range(CH)]
    scans1, bases1 = _count_pre(h_cur, d1s)
    poss = [bases1[h] + scans1[h][0] for h in range(CH)]
    _count_commit(h_cur, d1s, scans1, bases1)
    tops = [_shr(ks[h], 22) for h in range(CH)]
    for h in range(CH):
      packed = plsc.bitcast(
          plsc.bitcast(tops[h], jnp.uint32) << IDX_BITS, jnp.int32) | vs[h]
      plsc.store_scatter(dst_k, [poss[h]], packed)
    return c
  lax.fori_loop(0, VPC, body, 0)


def _perm3(src_p, dst_f, h_cur):
  def body(i, c):
    ps = [src_p[pl.ds(h * EPC + i * L, L)] for h in range(CH)]
    d2s = [_shr(ps[h], IDX_BITS) + (h * HB) for h in range(CH)]
    scans2, bases2 = _count_pre(h_cur, d2s)
    poss = [bases2[h] + scans2[h][0] for h in range(CH)]
    _count_commit(h_cur, d2s, scans2, bases2)
    for h in range(CH):
      fbits = plsc.bitcast(
          (poss[h] + 1).astype(jnp.float32) * INV_N1, jnp.int32)
      plsc.store_scatter(dst_f, [ps[h] & IDX_MASK], fbits)
    return c
  lax.fori_loop(0, VPC, body, 0)


def _rank_body(st_hbm, out_hbm, k0, k1, v1, ha, hb):
  wid = lax.axis_index("s") * NC + lax.axis_index("c")

  def col_body(ci, carry):
    col = wid * CPW + ci
    pltpu.sync_copy(st_hbm.at[col], k0)
    _zero(ha, CH * HB)
    _histn(k0, ha, _d0)
    _merge(ha, 2048)
    _perm1(k0, k1, v1, ha)
    _zero(hb, CH * HB)
    _histn(k1, hb, _d1)
    _merge(hb, 2048)
    _perm2(k1, v1, k0, hb)
    _zero(ha, CH * HB)
    _histn(k0, ha, _d2)
    _merge(ha, 1024)
    _perm3(k0, k1, ha)
    pltpu.sync_copy(k1, out_hbm.at[col])
    return carry

  lax.fori_loop(0, CPW, col_body, 0)


@jax.jit
def _rank_columns(st_keys):
  mesh = plsc.VectorSubcoreMesh(
      core_axis_name="c", subcore_axis_name="s",
      num_cores=NC, num_subcores=NS)
  f = pl.kernel(
      _rank_body,
      out_type=jax.ShapeDtypeStruct((D, N), jnp.int32),
      mesh=mesh,
      compiler_params=pltpu.CompilerParams(
          needs_layout_passes=False, use_tc_tiling_on_sc=False),
      scratch_types=[
          pltpu.VMEM((N,), jnp.int32),
          pltpu.VMEM((N,), jnp.int32),
          pltpu.VMEM((N,), jnp.int32),
          pltpu.VMEM((CH * HB,), jnp.int32),
          pltpu.VMEM((CH * HB,), jnp.int32),
      ],
  )
  return f(st_keys)


def kernel(samples):
  st = jnp.transpose(samples).view(jnp.int32)
  ranks = _rank_columns(st)
  return ranks.view(jnp.float32)[None, :, :]

# --- scband reference (transcript-rebuilt; emitter-appended) ---
"""Pipeline reference for scband-meta-ce-1855425872125 (READ-ONLY COPY).

The authoritative reference and input builder live on the scoring server;
editing this copy changes nothing except your own understanding.
"""

import jax, jax.numpy as jnp
import numpy as np

N_SAMPLES = 16384
DIM = 256

def setup_inputs(seed: int = 0) -> dict:
    key = jax.random.key(seed)
    samples = jax.random.normal(key, (N_SAMPLES, DIM), dtype=jnp.float32)
    return {"samples": samples}

def reference(samples):
    # Faithful translation of MetaCE.__init__ rank-based CDF estimation
    # with est_F='n+1' and survival=False.
    n = samples.shape[0]
    s = jnp.transpose(samples)[None, :, :]  # [1, dim, n] == samples.T.unsqueeze(0)
    order = jnp.argsort(s, axis=2)           # ascending order indices
    F_ = jnp.argsort(order, axis=2)          # ranks (double argsort)
    F = (F_.astype(jnp.float32) + 1.0) / (n + 1)  # (F_ + 1) / (n_samples + 1)
    return F

if __name__ == "__main__":
    import jax
    _d = setup_inputs()
    print(jax.jit(kernel)(*tuple(_d.values())))

</pallas_src>

<mosaic_0001>
#map = affine_map<(d0, d1) -> (0, 0)>
module attributes {stable_mosaic.version = 14 : i64} {
  func.func @_rank_body(%arg0: i32, %arg1: i32, %arg2: memref<256x16384xi32, #tpu.memory_space<hbm>>, %arg3: memref<256x16384xi32, #tpu.memory_space<hbm>>, %arg4: memref<16384xi32, #tpu.memory_space<vmem>>, %arg5: memref<16384xi32, #tpu.memory_space<vmem>>, %arg6: memref<16384xi32, #tpu.memory_space<vmem>>, %arg7: memref<16384xi32, #tpu.memory_space<vmem>>, %arg8: memref<16384xi32, #tpu.memory_space<vmem>>) attributes {dimension_semantics = [#tpu.dimension_semantics<core_parallel>, #tpu.dimension_semantics<subcore_parallel>], iteration_bounds = array<i64: 2, 16>, scalar_prefetch = 0 : i64, scratch_operands = 5 : i64, tpu.core_type = #tpu.core_type<sc_vector_subcore>, window_params = [{transform_indices = #map}, {transform_indices = #map}]} {
    %mul3A = arith.constant 2 : i32
    %mul3A_0 = arith.muli %arg1, %mul3A : i32
    %add3A = arith.addi %mul3A_0, %arg0 : i32
    %scan3A = arith.constant 0 : i32
    %scan3A_1 = arith.constant 0 : i32
    %scan3A_2 = arith.constant 8 : i32
    %scan3A_3 = arith.addi %scan3A_1, %scan3A_2 : i32
    %scan3A_4 = arith.constant 1 : i32
    scf.for %scan3A_6 = %scan3A_1 to %scan3A_3 step %scan3A_4  : i32 {
      %mul3A_7 = arith.constant 8 : i32
      %mul3A_8 = arith.muli %add3A, %mul3A_7 : i32
      %add3A_9 = arith.addi %mul3A_8, %scan3A_6 : i32
      "tpu.region"() ({
        %run_scoped3A = tpu.sem_alloc : memref<!tpu.dma_semaphore, #tpu.memory_space<semaphore_mem>>
        %dma_start3A = arith.constant 0 : i32
        %dma_start3A_85 = tpu.memref_slice %arg2[%add3A_9, %dma_start3A] : memref<256x16384xi32, #tpu.memory_space<hbm>> -> memref<1x16384xi32, #tpu.memory_space<hbm>>
        %dma_start3A_86 = tpu.memref_squeeze %dma_start3A_85 : memref<1x16384xi32, #tpu.memory_space<hbm>> -> memref<16384xi32, #tpu.memory_space<hbm>>
        %dma_start3A_87 = arith.constant 0 : i32
        %dma_start3A_88 = tpu.memref_slice %arg2[%add3A_9, %dma_start3A_87] : memref<256x16384xi32, #tpu.memory_space<hbm>> -> memref<1x16384xi32, #tpu.memory_space<hbm>>
        %dma_start3A_89 = tpu.memref_squeeze %dma_start3A_88 : memref<1x16384xi32, #tpu.memory_space<hbm>> -> memref<16384xi32, #tpu.memory_space<hbm>>
        tpu.enqueue_dma source(%dma_start3A_89 : memref<16384xi32, #tpu.memory_space<hbm>>) target(%arg4 : memref<16384xi32, #tpu.memory_space<vmem>>) target_semaphore(%run_scoped3A : memref<!tpu.dma_semaphore, #tpu.memory_space<semaphore_mem>>)
        %dma_wait3A = arith.constant 0 : i32
        %dma_wait3A_90 = tpu.memref_slice %arg2[%add3A_9, %dma_wait3A] : memref<256x16384xi32, #tpu.memory_space<hbm>> -> memref<1x16384xi32, #tpu.memory_space<hbm>>
        %dma_wait3A_91 = tpu.memref_squeeze %dma_wait3A_90 : memref<1x16384xi32, #tpu.memory_space<hbm>> -> memref<16384xi32, #tpu.memory_space<hbm>>
        %dma_wait3A_92 = arith.constant 0 : i32
        %dma_wait3A_93 = tpu.memref_slice %arg2[%add3A_9, %dma_wait3A_92] : memref<256x16384xi32, #tpu.memory_space<hbm>> -> memref<1x16384xi32, #tpu.memory_space<hbm>>
        %dma_wait3A_94 = tpu.memref_squeeze %dma_wait3A_93 : memref<1x16384xi32, #tpu.memory_space<hbm>> -> memref<16384xi32, #tpu.memory_space<hbm>>
        tpu.wait_dma2 semaphore(%run_scoped3A : memref<!tpu.dma_semaphore, #tpu.memory_space<semaphore_mem>>) src(%dma_wait3A_94 : memref<16384xi32, #tpu.memory_space<hbm>>) dst(%arg4 : memref<16384xi32, #tpu.memory_space<vmem>>)
        tpu.yield
      }) : () -> ()
      %scan3A_10 = arith.constant 0 : i32
      %scan3A_11 = arith.constant 0 : i32
      %scan3A_12 = arith.constant 1024 : i32
      %scan3A_13 = arith.addi %scan3A_11, %scan3A_12 : i32
      %scan3A_14 = arith.constant 8 : i32
      scf.for %scan3A_85 = %scan3A_11 to %scan3A_13 step %scan3A_14  : i32 {
        %broadcast_in_dim3A = arith.constant 0 : i32
        %broadcast_in_dim3A_86 = vector.broadcast %broadcast_in_dim3A : i32 to vector<16xi32>
        %mul3A_87 = arith.constant 16 : i32
        %mul3A_88 = arith.muli %scan3A_85, %mul3A_87 : i32
        %swap3A = arith.index_cast %mul3A_88 : i32 to index
        %swap3A_89 = tpu.vector_load %arg7[%swap3A] {strides = array<i32>} : memref<16384xi32, #tpu.memory_space<vmem>>, vector<16xi32>,
        tpu.vector_store %arg7[%swap3A], %broadcast_in_dim3A_86 {strides = array<i32>} : memref<16384xi32, #tpu.memory_space<vmem>>, vector<16xi32>,
        %scan3A_90 = arith.constant 1 : i32
        %scan3A_91 = arith.addi %scan3A_85, %scan3A_90 : i32
        %broadcast_in_dim3A_92 = arith.constant 0 : i32
        %broadcast_in_dim3A_93 = vector.broadcast %broadcast_in_dim3A_92 : i32 to vector<16xi32>
        %mul3A_94 = arith.constant 16 : i32
        %mul3A_95 = arith.muli %scan3A_91, %mul3A_94 : i32
        %swap3A_96 = arith.index_cast %mul3A_95 : i32 to index
        %swap3A_97 = tpu.vector_load %arg7[%swap3A_96] {strides = array<i32>} : memref<16384xi32, #tpu.memory_space<vmem>>, vector<16xi32>,
        tpu.vector_store %arg7[%swap3A_96], %broadcast_in_dim3A_93 {strides = array<i32>} : memref<16384xi32, #tpu.memory_space<vmem>>, vector<16xi32>,
        %scan3A_98 = arith.constant 2 : i32
        %scan3A_99 = arith.addi %scan3A_85, %scan3A_98 : i32
        %broadcast_in_dim3A_100 = arith.constant 0 : i32
        %broadcast_in_dim3A_101 = vector.broadcast %broadcast_in_dim3A_100 : i32 to vector<16xi32>
        %mul3A_102 = arith.constant 16 : i32
        %mul3A_103 = arith.muli %scan3A_99, %mul3A_102 : i32
        %swap3A_104 = arith.index_cast %mul3A_103 : i32 to index
        %swap3A_105 = tpu.vector_load %arg7[%swap3A_104] {strides = array<i32>} : memref<16384xi32, #tpu.memory_space<vmem>>, vector<16xi32>,
        tpu.vector_store %arg7[%swap3A_104], %broadcast_in_dim3A_101 {strides = array<i32>} : memref<16384xi32, #tpu.memory_space<vmem>>, vector<16xi32>,
        %scan3A_106 = arith.constant 3 : i32
        %scan3A_107 = arith.addi %scan3A_85, %scan3A_106 : i32
        %broadcast_in_dim3A_108 = arith.constant 0 : i32
        %broadcast_in_dim3A_109 = vector.broadcast %broadcast_in_dim3A_108 : i32 to vector<16xi32>
        %mul3A_110 = arith.constant 16 : i32
        %mul3A_111 = arith.muli %scan3A_107, %mul3A_110 : i32
        %swap3A_112 = arith.index_cast %mul3A_111 : i32 to index
        %swap3A_113 = tpu.vector_load %arg7[%swap3A_112] {strides = array<i32>} : memref<16384xi32, #tpu.memory_space<vmem>>, vector<16xi32>,
        tpu.vector_store %arg7[%swap3A_112], %broadcast_in_dim3A_109 {strides = array<i32>} : memref<16384xi32, #tpu.memory_space<vmem>>, vector<16xi32>,
        %scan3A_114 = arith.constant 4 : i32
        %scan3A_115 = arith.addi %scan3A_85, %scan3A_114 : i32
        %broadcast_in_dim3A_116 = arith.constant 0 : i32
        %broadcast_in_dim3A_117 = vector.broadcast %broadcast_in_dim3A_116 : i32 to vector<16xi32>
        %mul3A_118 = arith.constant 16 : i32
        %mul3A_119 = arith.muli %scan3A_115, %mul3A_118 : i32
        %swap3A_120 = arith.index_cast %mul3A_119 : i32 to index
        %swap3A_121 = tpu.vector_load %arg7[%swap3A_120] {strides = array<i32>} : memref<16384xi32, #tpu.memory_space<vmem>>, vector<16xi32>,
        tpu.vector_store %arg7[%swap3A_120], %broadcast_in_dim3A_117 {strides = array<i32>} : memref<16384xi32, #tpu.memory_space<vmem>>, vector<16xi32>,
        %scan3A_122 = arith.constant 5 : i32
        %scan3A_123 = arith.addi %scan3A_85, %scan3A_122 : i32
        %broadcast_in_dim3A_124 = arith.constant 0 : i32
        %broadcast_in_dim3A_125 = vector.broadcast %broadcast_in_dim3A_124 : i32 to vector<16xi32>
        %mul3A_126 = arith.constant 16 : i32
        %mul3A_127 = arith.muli %scan3A_123, %mul3A_126 : i32
        %swap3A_128 = arith.index_cast %mul3A_127 : i32 to index
        %swap3A_129 = tpu.vector_load %arg7[%swap3A_128] {strides = array<i32>} : memref<16384xi32, #tpu.memory_space<vmem>>, vector<16xi32>,
        tpu.vector_store %arg7[%swap3A_128], %broadcast_in_dim3A_125 {strides = array<i32>} : memref<16384xi32, #tpu.memory_space<vmem>>, vector<16xi32>,
        %scan3A_130 = arith.constant 6 : i32
        %scan3A_131 = arith.addi %scan3A_85, %scan3A_130 : i32
        %broadcast_in_dim3A_132 = arith.constant 0 : i32
        %broadcast_in_dim3A_133 = vector.broadcast %broadcast_in_dim3A_132 : i32 to vector<16xi32>
        %mul3A_134 = arith.constant 16 : i32
        %mul3A_135 = arith.muli %scan3A_131, %mul3A_134 : i32
        %swap3A_136 = arith.index_cast %mul3A_135 : i32 to index
        %swap3A_137 = tpu.vector_load %arg7[%swap3A_136] {strides = array<i32>} : memref<16384xi32, #tpu.memory_space<vmem>>, vector<16xi32>,
        tpu.vector_store %arg7[%swap3A_136], %broadcast_in_dim3A_133 {strides = array<i32>} : memref<16384xi32, #tpu.memory_space<vmem>>, vector<16xi32>,
        %scan3A_138 = arith.constant 7 : i32
        %scan3A_139 = arith.addi %scan3A_85, %scan3A_138 : i32
        %broadcast_in_dim3A_140 = arith.constant 0 : i32
        %broadcast_in_dim3A_141 = vector.broadcast %broadcast_in_dim3A_140 : i32 to vector<16xi32>
        %mul3A_142 = arith.constant 16 : i32
        %mul3A_143 = arith.muli %scan3A_139, %mul3A_142 : i32
        %swap3A_144 = arith.index_cast %mul3A_143 : i32 to index
        %swap3A_145 = tpu.vector_load %arg7[%swap3A_144] {strides = array<i32>} : memref<16384xi32, #tpu.memory_space<vmem>>, vector<16xi32>,
        tpu.vector_store %arg7[%swap3A_144], %broadcast_in_dim3A_141 {strides = array<i32>} : memref<16384xi32, #tpu.memory_space<vmem>>, vector<16xi32>,
      }
      %scan3A_15 = arith.constant 1024 : i32
      %scan3A_16 = arith.constant 0 : i32
      %scan3A_17 = arith.constant 0 : i32
      %scan3A_18 = arith.constant 256 : i32
      %scan3A_19 = arith.addi %scan3A_17, %scan3A_18 : i32
      %scan3A_20 = arith.constant 1 : i32
      scf.for %scan3A_85 = %scan3A_17 to %scan3A_19 step %scan3A_20  : i32 {
        %mul3A_86 = arith.constant 16 : i32
        %mul3A_87 = arith.muli %scan3A_85, %mul3A_86 : i32
        %add3A_88 = arith.constant 0 : i32
        %add3A_89 = arith.addi %add3A_88, %mul3A_87 : i32
        %get3A = arith.index_cast %add3A_89 : i32 to index
        %get3A_90 = tpu.vector_load %arg4[%get3A] {strides = array<i32>} : memref<16384xi32, #tpu.memory_space<vmem>>, vector<16xi32>,
        %mul3A_91 = arith.constant 16 : i32
        %mul3A_92 = arith.muli %scan3A_85, %mul3A_91 : i32
        %add3A_93 = arith.constant 4096 : i32
        %add3A_94 = arith.addi %add3A_93, %mul3A_92 : i32
        %get3A_95 = arith.index_cast %add3A_94 : i32 to index
        %get3A_96 = tpu.vector_load %arg4[%get3A_95] {strides = array<i32>} : memref<16384xi32, #tpu.memory_space<vmem>>, vector<16xi32>,
        %mul3A_97 = arith.constant 16 : i32
        %mul3A_98 = arith.muli %scan3A_85, %mul3A_97 : i32
        %add3A_99 = arith.constant 8192 : i32
        %add3A_100 = arith.addi %add3A_99, %mul3A_98 : i32
        %get3A_101 = arith.index_cast %add3A_100 : i32 to index
        %get3A_102 = tpu.vector_load %arg4[%get3A_101] {strides = array<i32>} : memref<16384xi32, #tpu.memory_space<vmem>>, vector<16xi32>,
        %mul3A_103 = arith.constant 16 : i32
        %mul3A_104 = arith.muli %scan3A_85, %mul3A_103 : i32
        %add3A_105 = arith.constant 12288 : i32
        %add3A_106 = arith.addi %add3A_105, %mul3A_104 : i32
        %get3A_107 = arith.index_cast %add3A_106 : i32 to index
        %get3A_108 = tpu.vector_load %arg4[%get3A_107] {strides = array<i32>} : memref<16384xi32, #tpu.memory_space<vmem>>, vector<16xi32>,
        %shift_right_arithmetic3A = arith.constant 31 : i32
        %shift_right_arithmetic3A_109 = vector.broadcast %shift_right_arithmetic3A : i32 to vector<16xi32>
        %shift_right_arithmetic3A_110 = arith.shrsi %get3A_90, %shift_right_arithmetic3A_109 : vector<16xi32>
        %or3A = arith.constant -2147483648 : i32
        %or3A_111 = vector.broadcast %or3A : i32 to vector<16xi32>
        %or3A_112 = arith.ori %shift_right_arithmetic3A_110, %or3A_111 : vector<16xi32>
        %xor3A = arith.xori %get3A_90, %or3A_112 : vector<16xi32>
        %and3A = arith.constant 2047 : i32
        %and3A_113 = vector.broadcast %and3A : i32 to vector<16xi32>
        %and3A_114 = arith.andi %xor3A, %and3A_113 : vector<16xi32>
        %add3A_115 = arith.constant 0 : i32
        %add3A_116 = vector.broadcast %add3A_115 : i32 to vector<16xi32>
        %add3A_117 = arith.addi %and3A_114, %add3A_116 : vector<16xi32>
        %shift_right_arithmetic3A_118 = arith.constant 31 : i32
        %shift_right_arithmetic3A_119 = vector.broadcast %shift_right_arithmetic3A_118 : i32 to vector<16xi32>
        %shift_right_arithmetic3A_120 = arith.shrsi %get3A_96, %shift_right_arithmetic3A_119 : vector<16xi32>
        %or3A_121 = arith.constant -2147483648 : i32
        %or3A_122 = vector.broadcast %or3A_121 : i32 to vector<16xi32>
        %or3A_123 = arith.ori %shift_right_arithmetic3A_120, %or3A_122 : vector<16xi32>
        %xor3A_124 = arith.xori %get3A_96, %or3A_123 : vector<16xi32>
        %and3A_125 = arith.constant 2047 : i32
        %and3A_126 = vector.broadcast %and3A_125 : i32 to vector<16xi32>
        %and3A_127 = arith.andi %xor3A_124, %and3A_126 : vector<16xi32>
        %add3A_128 = arith.constant 4096 : i32
        %add3A_129 = vector.broadcast %add3A_128 : i32 to vector<16xi32>
        %add3A_130 = arith.addi %and3A_127, %add3A_129 : vector<16xi32>
        %shift_right_arithmetic3A_131 = arith.constant 31 : i32
        %shift_right_arithmetic3A_132 = vector.broadcast %shift_right_arithmetic3A_131 : i32 to vector<16xi32>
        %shift_right_arithmetic3A_133 = arith.shrsi %get3A_102, %shift_right_arithmetic3A_132 : vector<16xi32>
        %or3A_134 = arith.constant -2147483648 : i32
        %or3A_135 = vector.broadcast %or3A_134 : i32 to vector<16xi32>
        %or3A_136 = arith.ori %shift_right_arithmetic3A_133, %or3A_135 : vector<16xi32>
        %xor3A_137 = arith.xori %get3A_102, %or3A_136 : vector<16xi32>
        %and3A_138 = arith.constant 2047 : i32
        %and3A_139 = vector.broadcast %and3A_138 : i32 to vector<16xi32>
        %and3A_140 = arith.andi %xor3A_137, %and3A_139 : vector<16xi32>
        %add3A_141 = arith.constant 8192 : i32
        %add3A_142 = vector.broadcast %add3A_141 : i32 to vector<16xi32>
        %add3A_143 = arith.addi %and3A_140, %add3A_142 : vector<16xi32>
        %shift_right_arithmetic3A_144 = arith.constant 31 : i32
        %shift_right_arithmetic3A_145 = vector.broadcast %shift_right_arithmetic3A_144 : i32 to vector<16xi32>
        %shift_right_arithmetic3A_146 = arith.shrsi %get3A_108, %shift_right_arithmetic3A_145 : vector<16xi32>
        %or3A_147 = arith.constant -2147483648 : i32
        %or3A_148 = vector.broadcast %or3A_147 : i32 to vector<16xi32>
        %or3A_149 = arith.ori %shift_right_arithmetic3A_146, %or3A_148 : vector<16xi32>
        %xor3A_150 = arith.xori %get3A_108, %or3A_149 : vector<16xi32>
        %and3A_151 = arith.constant 2047 : i32
        %and3A_152 = vector.broadcast %and3A_151 : i32 to vector<16xi32>
        %and3A_153 = arith.andi %xor3A_150, %and3A_152 : vector<16xi32>
        %add3A_154 = arith.constant 12288 : i32
        %add3A_155 = vector.broadcast %add3A_154 : i32 to vector<16xi32>
        %add3A_156 = arith.addi %and3A_153, %add3A_155 : vector<16xi32>
        %broadcast_in_dim3A = arith.constant true
        %broadcast_in_dim3A_157 = vector.broadcast %broadcast_in_dim3A : i1 to vector<16xi1>
        %unique3A, %unique3A_158 = tpu.scan_count mask(%broadcast_in_dim3A_157 : vector<16xi1>) value(%add3A_117 : vector<16xi32>) : vector<16xi1>, vector<16xi32>
        %broadcast_in_dim3A_159 = arith.constant true
        %broadcast_in_dim3A_160 = vector.broadcast %broadcast_in_dim3A_159 : i1 to vector<16xi1>
        %unique3A_161, %unique3A_162 = tpu.scan_count mask(%broadcast_in_dim3A_160 : vector<16xi1>) value(%add3A_130 : vector<16xi32>) : vector<16xi1>, vector<16xi32>
        %broadcast_in_dim3A_163 = arith.constant true
        %broadcast_in_dim3A_164 = vector.broadcast %broadcast_in_dim3A_163 : i1 to vector<16xi1>
        %unique3A_165, %unique3A_166 = tpu.scan_count mask(%broadcast_in_dim3A_164 : vector<16xi1>) value(%add3A_143 : vector<16xi32>) : vector<16xi1>, vector<16xi32>
        %broadcast_in_dim3A_167 = arith.constant true
        %broadcast_in_dim3A_168 = vector.broadcast %broadcast_in_dim3A_167 : i1 to vector<16xi1>
        %unique3A_169, %unique3A_170 = tpu.scan_count mask(%broadcast_in_dim3A_168 : vector<16xi1>) value(%add3A_156 : vector<16xi32>) : vector<16xi1>, vector<16xi32>
        %gather3A = tpu.vector_load_idx %arg7[%add3A_117] : memref<16384xi32, #tpu.memory_space<vmem>>[vector<16xi32>], vector<16xi32>,
        %gather3A_171 = tpu.vector_load_idx %arg7[%add3A_130] : memref<16384xi32, #tpu.memory_space<vmem>>[vector<16xi32>], vector<16xi32>,
        %gather3A_172 = tpu.vector_load_idx %arg7[%add3A_143] : memref<16384xi32, #tpu.memory_space<vmem>>[vector<16xi32>], vector<16xi32>,
        %gather3A_173 = tpu.vector_load_idx %arg7[%add3A_156] : memref<16384xi32, #tpu.memory_space<vmem>>[vector<16xi32>], vector<16xi32>,
        %add3A_174 = arith.addi %gather3A, %unique3A_158 : vector<16xi32>
        tpu.vector_store_idx %arg7[%add3A_117], %add3A_174 masked %unique3A : memref<16384xi32, #tpu.memory_space<vmem>>[vector<16xi32>], vector<16xi32>, vector<16xi1>
        %add3A_175 = arith.addi %gather3A_171, %unique3A_162 : vector<16xi32>
        tpu.vector_store_idx %arg7[%add3A_130], %add3A_175 masked %unique3A_161 : memref<16384xi32, #tpu.memory_space<vmem>>[vector<16xi32>], vector<16xi32>, vector<16xi1>
        %add3A_176 = arith.addi %gather3A_172, %unique3A_166 : vector<16xi32>
        tpu.vector_store_idx %arg7[%add3A_143], %add3A_176 masked %unique3A_165 : memref<16384xi32, #tpu.memory_space<vmem>>[vector<16xi32>], vector<16xi32>, vector<16xi1>
        %add3A_177 = arith.addi %gather3A_173, %unique3A_170 : vector<16xi32>
        tpu.vector_store_idx %arg7[%add3A_156], %add3A_177 masked %unique3A_169 : memref<16384xi32, #tpu.memory_space<vmem>>[vector<16xi32>], vector<16xi32>, vector<16xi1>
      }
      %scan3A_21 = arith.constant 256 : i32
      %scan3A_22 = arith.constant -1 : i32
      %scan3A_23 = arith.constant 0 : i32
      %scan3A_24 = arith.constant 128 : i32
      %scan3A_25 = arith.addi %scan3A_23, %scan3A_24 : i32
      %scan3A_26 = arith.constant 1 : i32
      %scan3A_27 = scf.for %scan3A_85 = %scan3A_23 to %scan3A_25 step %scan3A_26 iter_args(%scan3A_86 = %scan3A_22) -> (i32)  : i32 {
        %mul3A_87 = arith.constant 16 : i32
        %mul3A_88 = arith.muli %scan3A_85, %mul3A_87 : i32
        %add3A_89 = arith.constant 0 : i32
        %add3A_90 = arith.addi %add3A_89, %mul3A_88 : i32
        %get3A = arith.index_cast %add3A_90 : i32 to index
        %get3A_91 = tpu.vector_load %arg7[%get3A] {strides = array<i32>} : memref<16384xi32, #tpu.memory_space<vmem>>, vector<16xi32>,
        %mul3A_92 = arith.constant 16 : i32
        %mul3A_93 = arith.muli %scan3A_85, %mul3A_92 : i32
        %add3A_94 = arith.constant 4096 : i32
        %add3A_95 = arith.addi %add3A_94, %mul3A_93 : i32
        %get3A_96 = arith.index_cast %add3A_95 : i32 to index
        %get3A_97 = tpu.vector_load %arg7[%get3A_96] {strides = array<i32>} : memref<16384xi32, #tpu.memory_space<vmem>>, vector<16xi32>,
        %mul3A_98 = arith.constant 16 : i32
        %mul3A_99 = arith.muli %scan3A_85, %mul3A_98 : i32
        %add3A_100 = arith.constant 8192 : i32
        %add3A_101 = arith.addi %add3A_100, %mul3A_99 : i32
        %get3A_102 = arith.index_cast %add3A_101 : i32 to index
        %get3A_103 = tpu.vector_load %arg7[%get3A_102] {strides = array<i32>} : memref<16384xi32, #tpu.memory_space<vmem>>, vector<16xi32>,
        %mul3A_104 = arith.constant 16 : i32
        %mul3A_105 = arith.muli %scan3A_85, %mul3A_104 : i32
        %add3A_106 = arith.constant 12288 : i32
        %add3A_107 = arith.addi %add3A_106, %mul3A_105 : i32
        %get3A_108 = arith.index_cast %add3A_107 : i32 to index
        %get3A_109 = tpu.vector_load %arg7[%get3A_108] {strides = array<i32>} : memref<16384xi32, #tpu.memory_space<vmem>>, vector<16xi32>,
        %add3A_110 = arith.addi %get3A_91, %get3A_97 : vector<16xi32>
        %add3A_111 = arith.addi %add3A_110, %get3A_103 : vector<16xi32>
        %add3A_112 = arith.addi %add3A_111, %get3A_109 : vector<16xi32>
        %broadcast_in_dim3A = arith.constant true
        %broadcast_in_dim3A_113 = vector.broadcast %broadcast_in_dim3A : i1 to vector<16xi1>
        %masked_cumsum3A = tpu.scan <sum>, %add3A_112 masked %broadcast_in_dim3A_113 : vector<16xi32>, vector<16xi1> -> vector<16xi32>
        %sub3A = arith.subi %masked_cumsum3A, %add3A_112 : vector<16xi32>
        %add3A_114 = vector.broadcast %scan3A_86 : i32 to vector<16xi32>
        %add3A_115 = arith.addi %sub3A, %add3A_114 : vector<16xi32>
        %mul3A_116 = arith.constant 16 : i32
        %mul3A_117 = arith.muli %scan3A_85, %mul3A_116 : i32
        %add3A_118 = arith.constant 0 : i32
        %add3A_119 = arith.addi %add3A_118, %mul3A_117 : i32
        %swap3A = arith.index_cast %add3A_119 : i32 to index
        %swap3A_120 = tpu.vector_load %arg7[%swap3A] {strides = array<i32>} : memref<16384xi32, #tpu.memory_space<vmem>>, vector<16xi32>,
        tpu.vector_store %arg7[%swap3A], %add3A_115 {strides = array<i32>} : memref<16384xi32, #tpu.memory_space<vmem>>, vector<16xi32>,
        %add3A_121 = arith.addi %add3A_115, %get3A_91 : vector<16xi32>
        %mul3A_122 = arith.constant 16 : i32
        %mul3A_123 = arith.muli %scan3A_85, %mul3A_122 : i32
        %add3A_124 = arith.constant 4096 : i32
        %add3A_125 = arith.addi %add3A_124, %mul3A_123 : i32
        %swap3A_126 = arith.index_cast %add3A_125 : i32 to index
        %swap3A_127 = tpu.vector_load %arg7[%swap3A_126] {strides = array<i32>} : memref<16384xi32, #tpu.memory_space<vmem>>, vector<16xi32>,
        tpu.vector_store %arg7[%swap3A_126], %add3A_121 {strides = array<i32>} : memref<16384xi32, #tpu.memory_space<vmem>>, vector<16xi32>,
        %add3A_128 = arith.addi %add3A_115, %add3A_110 : vector<16xi32>
        %mul3A_129 = arith.constant 16 : i32
        %mul3A_130 = arith.muli %scan3A_85, %mul3A_129 : i32
        %add3A_131 = arith.constant 8192 : i32
        %add3A_132 = arith.addi %add3A_131, %mul3A_130 : i32
        %swap3A_133 = arith.index_cast %add3A_132 : i32 to index
        %swap3A_134 = tpu.vector_load %arg7[%swap3A_133] {strides = array<i32>} : memref<16384xi32, #tpu.memory_space<vmem>>, vector<16xi32>,
        tpu.vector_store %arg7[%swap3A_133], %add3A_128 {strides = array<i32>} : memref<16384xi32, #tpu.memory_space<vmem>>, vector<16xi32>,
        %add3A_135 = arith.addi %add3A_115, %add3A_111 : vector<16xi32>
        %mul3A_136 = arith.constant 16 : i32
        %mul3A_137 = arith.muli %scan3A_85, %mul3A_136 : i32
        %add3A_138 = arith.constant 12288 : i32
        %add3A_139 = arith.addi %add3A_138, %mul3A_137 : i32
        %swap3A_140 = arith.index_cast %add3A_139 : i32 to index
        %swap3A_141 = tpu.vector_load %arg7[%swap3A_140] {strides = array<i32>} : memref<16384xi32, #tpu.memory_space<vmem>>, vector<16xi32>,
        tpu.vector_store %arg7[%swap3A_140], %add3A_135 {strides = array<i32>} : memref<16384xi32, #tpu.memory_space<vmem>>, vector<16xi32>,
        %reduce_sum3A = arith.constant true
        %reduce_sum3A_142 = vector.broadcast %reduce_sum3A : i1 to vector<16xi1>
        %reduce_sum3A_143 = tpu.scan <sum>, %add3A_112 masked %reduce_sum3A_142 : vector<16xi32>, vector<16xi1> -> vector<16xi32>
        %reduce_sum3A_144 = vector.extract %reduce_sum3A_143[15] : i32 from vector<16xi32>
        %add3A_145 = arith.addi %scan3A_86, %reduce_sum3A_144 : i32
        scf.yield %add3A_145 : i32
      }
      %scan3A_28 = arith.constant 128 : i32
      %scan3A_29 = arith.constant 0 : i32
      %scan3A_30 = arith.constant 0 : i32
      %scan3A_31 = arith.constant 256 : i32
      %scan3A_32 = arith.addi %scan3A_30, %scan3A_31 : i32
      %scan3A_33 = arith.constant 1 : i32
      scf.for %scan3A_85 = %scan3A_30 to %scan3A_32 step %scan3A_33  : i32 {
        %mul3A_86 = arith.constant 16 : i32
        %mul3A_87 = arith.muli %scan3A_85, %mul3A_86 : i32
        %add3A_88 = arith.constant 0 : i32
        %add3A_89 = arith.addi %add3A_88, %mul3A_87 : i32
        %get3A = arith.index_cast %add3A_89 : i32 to index
        %get3A_90 = tpu.vector_load %arg4[%get3A] {strides = array<i32>} : memref<16384xi32, #tpu.memory_space<vmem>>, vector<16xi32>,
        %shift_right_arithmetic3A = arith.constant 31 : i32
        %shift_right_arithmetic3A_91 = vector.broadcast %shift_right_arithmetic3A : i32 to vector<16xi32>
        %shift_right_arithmetic3A_92 = arith.shrsi %get3A_90, %shift_right_arithmetic3A_91 : vector<16xi32>
        %or3A = arith.constant -2147483648 : i32
        %or3A_93 = vector.broadcast %or3A : i32 to vector<16xi32>
        %or3A_94 = arith.ori %shift_right_arithmetic3A_92, %or3A_93 : vector<16xi32>
        %xor3A = arith.xori %get3A_90, %or3A_94 : vector<16xi32>
        %mul3A_95 = arith.constant 16 : i32
        %mul3A_96 = arith.muli %scan3A_85, %mul3A_95 : i32
        %add3A_97 = arith.constant 4096 : i32
        %add3A_98 = arith.addi %add3A_97, %mul3A_96 : i32
        %get3A_99 = arith.index_cast %add3A_98 : i32 to index
        %get3A_100 = tpu.vector_load %arg4[%get3A_99] {strides = array<i32>} : memref<16384xi32, #tpu.memory_space<vmem>>, vector<16xi32>,
        %shift_right_arithmetic3A_101 = arith.constant 31 : i32
        %shift_right_arithmetic3A_102 = vector.broadcast %shift_right_arithmetic3A_101 : i32 to vector<16xi32>
        %shift_right_arithmetic3A_103 = arith.shrsi %get3A_100, %shift_right_arithmetic3A_102 : vector<16xi32>
        %or3A_104 = arith.constant -2147483648 : i32
        %or3A_105 = vector.broadcast %or3A_104 : i32 to vector<16xi32>
        %or3A_106 = arith.ori %shift_right_arithmetic3A_103, %or3A_105 : vector<16xi32>
        %xor3A_107 = arith.xori %get3A_100, %or3A_106 : vector<16xi32>
        %mul3A_108 = arith.constant 16 : i32
        %mul3A_109 = arith.muli %scan3A_85, %mul3A_108 : i32
        %add3A_110 = arith.constant 8192 : i32
        %add3A_111 = arith.addi %add3A_110, %mul3A_109 : i32
        %get3A_112 = arith.index_cast %add3A_111 : i32 to index
        %get3A_113 = tpu.vector_load %arg4[%get3A_112] {strides = array<i32>} : memref<16384xi32, #tpu.memory_space<vmem>>, vector<16xi32>,
        %shift_right_arithmetic3A_114 = arith.constant 31 : i32
        %shift_right_arithmetic3A_115 = vector.broadcast %shift_right_arithmetic3A_114 : i32 to vector<16xi32>
        %shift_right_arithmetic3A_116 = arith.shrsi %get3A_113, %shift_right_arithmetic3A_115 : vector<16xi32>
        %or3A_117 = arith.constant -2147483648 : i32
        %or3A_118 = vector.broadcast %or3A_117 : i32 to vector<16xi32>
        %or3A_119 = arith.ori %shift_right_arithmetic3A_116, %or3A_118 : vector<16xi32>
        %xor3A_120 = arith.xori %get3A_113, %or3A_119 : vector<16xi32>
        %mul3A_121 = arith.constant 16 : i32
        %mul3A_122 = arith.muli %scan3A_85, %mul3A_121 : i32
        %add3A_123 = arith.constant 12288 : i32
        %add3A_124 = arith.addi %add3A_123, %mul3A_122 : i32
        %get3A_125 = arith.index_cast %add3A_124 : i32 to index
        %get3A_126 = tpu.vector_load %arg4[%get3A_125] {strides = array<i32>} : memref<16384xi32, #tpu.memory_space<vmem>>, vector<16xi32>,
        %shift_right_arithmetic3A_127 = arith.constant 31 : i32
        %shift_right_arithmetic3A_128 = vector.broadcast %shift_right_arithmetic3A_127 : i32 to vector<16xi32>
        %shift_right_arithmetic3A_129 = arith.shrsi %get3A_126, %shift_right_arithmetic3A_128 : vector<16xi32>
        %or3A_130 = arith.constant -2147483648 : i32
        %or3A_131 = vector.broadcast %or3A_130 : i32 to vector<16xi32>
        %or3A_132 = arith.ori %shift_right_arithmetic3A_129, %or3A_131 : vector<16xi32>
        %xor3A_133 = arith.xori %get3A_126, %or3A_132 : vector<16xi32>
        %and3A = arith.constant 2047 : i32
        %and3A_134 = vector.broadcast %and3A : i32 to vector<16xi32>
        %and3A_135 = arith.andi %xor3A, %and3A_134 : vector<16xi32>
        %add3A_136 = arith.constant 0 : i32
        %add3A_137 = vector.broadcast %add3A_136 : i32 to vector<16xi32>
        %add3A_138 = arith.addi %and3A_135, %add3A_137 : vector<16xi32>
        %and3A_139 = arith.constant 2047 : i32
        %and3A_140 = vector.broadcast %and3A_139 : i32 to vector<16xi32>
        %and3A_141 = arith.andi %xor3A_107, %and3A_140 : vector<16xi32>
        %add3A_142 = arith.constant 4096 : i32
        %add3A_143 = vector.broadcast %add3A_142 : i32 to vector<16xi32>
        %add3A_144 = arith.addi %and3A_141, %add3A_143 : vector<16xi32>
        %and3A_145 = arith.constant 2047 : i32
        %and3A_146 = vector.broadcast %and3A_145 : i32 to vector<16xi32>
        %and3A_147 = arith.andi %xor3A_120, %and3A_146 : vector<16xi32>
        %add3A_148 = arith.constant 8192 : i32
        %add3A_149 = vector.broadcast %add3A_148 : i32 to vector<16xi32>
        %add3A_150 = arith.addi %and3A_147, %add3A_149 : vector<16xi32>
        %and3A_151 = arith.constant 2047 : i32
        %and3A_152 = vector.broadcast %and3A_151 : i32 to vector<16xi32>
        %and3A_153 = arith.andi %xor3A_133, %and3A_152 : vector<16xi32>
        %add3A_154 = arith.constant 12288 : i32
        %add3A_155 = vector.broadcast %add3A_154 : i32 to vector<16xi32>
        %add3A_156 = arith.addi %and3A_153, %add3A_155 : vector<16xi32>
        %broadcast_in_dim3A = arith.constant true
        %broadcast_in_dim3A_157 = vector.broadcast %broadcast_in_dim3A : i1 to vector<16xi1>
        %unique3A, %unique3A_158 = tpu.scan_count mask(%broadcast_in_dim3A_157 : vector<16xi1>) value(%add3A_138 : vector<16xi32>) : vector<16xi1>, vector<16xi32>
        %broadcast_in_dim3A_159 = arith.constant true
        %broadcast_in_dim3A_160 = vector.broadcast %broadcast_in_dim3A_159 : i1 to vector<16xi1>
        %unique3A_161, %unique3A_162 = tpu.scan_count mask(%broadcast_in_dim3A_160 : vector<16xi1>) value(%add3A_144 : vector<16xi32>) : vector<16xi1>, vector<16xi32>
        %broadcast_in_dim3A_163 = arith.constant true
        %broadcast_in_dim3A_164 = vector.broadcast %broadcast_in_dim3A_163 : i1 to vector<16xi1>
        %unique3A_165, %unique3A_166 = tpu.scan_count mask(%broadcast_in_dim3A_164 : vector<16xi1>) value(%add3A_150 : vector<16xi32>) : vector<16xi1>, vector<16xi32>
        %broadcast_in_dim3A_167 = arith.constant true
        %broadcast_in_dim3A_168 = vector.broadcast %broadcast_in_dim3A_167 : i1 to vector<16xi1>
        %unique3A_169, %unique3A_170 = tpu.scan_count mask(%broadcast_in_dim3A_168 : vector<16xi1>) value(%add3A_156 : vector<16xi32>) : vector<16xi1>, vector<16xi32>
        %gather3A = tpu.vector_load_idx %arg7[%add3A_138] : memref<16384xi32, #tpu.memory_space<vmem>>[vector<16xi32>], vector<16xi32>,
        %gather3A_171 = tpu.vector_load_idx %arg7[%add3A_144] : memref<16384xi32, #tpu.memory_space<vmem>>[vector<16xi32>], vector<16xi32>,
        %gather3A_172 = tpu.vector_load_idx %arg7[%add3A_150] : memref<16384xi32, #tpu.memory_space<vmem>>[vector<16xi32>], vector<16xi32>,
        %gather3A_173 = tpu.vector_load_idx %arg7[%add3A_156] : memref<16384xi32, #tpu.memory_space<vmem>>[vector<16xi32>], vector<16xi32>,
        %add3A_174 = arith.addi %gather3A, %unique3A_158 : vector<16xi32>
        %add3A_175 = arith.addi %gather3A_171, %unique3A_162 : vector<16xi32>
        %add3A_176 = arith.addi %gather3A_172, %unique3A_166 : vector<16xi32>
        %add3A_177 = arith.addi %gather3A_173, %unique3A_170 : vector<16xi32>
        %add3A_178 = arith.addi %gather3A, %unique3A_158 : vector<16xi32>
        tpu.vector_store_idx %arg7[%add3A_138], %add3A_178 masked %unique3A : memref<16384xi32, #tpu.memory_space<vmem>>[vector<16xi32>], vector<16xi32>, vector<16xi1>
        %add3A_179 = arith.addi %gather3A_171, %unique3A_162 : vector<16xi32>
        tpu.vector_store_idx %arg7[%add3A_144], %add3A_179 masked %unique3A_161 : memref<16384xi32, #tpu.memory_space<vmem>>[vector<16xi32>], vector<16xi32>, vector<16xi1>
        %add3A_180 = arith.addi %gather3A_172, %unique3A_166 : vector<16xi32>
        tpu.vector_store_idx %arg7[%add3A_150], %add3A_180 masked %unique3A_165 : memref<16384xi32, #tpu.memory_space<vmem>>[vector<16xi32>], vector<16xi32>, vector<16xi1>
        %add3A_181 = arith.addi %gather3A_173, %unique3A_170 : vector<16xi32>
        tpu.vector_store_idx %arg7[%add3A_156], %add3A_181 masked %unique3A_169 : memref<16384xi32, #tpu.memory_space<vmem>>[vector<16xi32>], vector<16xi32>, vector<16xi1>
        tpu.vector_store_idx %arg5[%add3A_174], %xor3A : memref<16384xi32, #tpu.memory_space<vmem>>[vector<16xi32>], vector<16xi32>,
        %iota3A = tpu.iota {dimensions = array<i32: 0>} : vector<16xi32>
        %mul3A_182 = arith.constant 16 : i32
        %mul3A_183 = arith.muli %scan3A_85, %mul3A_182 : i32
        %add3A_184 = arith.constant 0 : i32
        %add3A_185 = arith.addi %add3A_184, %mul3A_183 : i32
        %add3A_186 = vector.broadcast %add3A_185 : i32 to vector<16xi32>
        %add3A_187 = arith.addi %iota3A, %add3A_186 : vector<16xi32>
        tpu.vector_store_idx %arg6[%add3A_174], %add3A_187 : memref<16384xi32, #tpu.memory_space<vmem>>[vector<16xi32>], vector<16xi32>,
        tpu.vector_store_idx %arg5[%add3A_175], %xor3A_107 : memref<16384xi32, #tpu.memory_space<vmem>>[vector<16xi32>], vector<16xi32>,
        %iota3A_188 = tpu.iota {dimensions = array<i32: 0>} : vector<16xi32>
        %mul3A_189 = arith.constant 16 : i32
        %mul3A_190 = arith.muli %scan3A_85, %mul3A_189 : i32
        %add3A_191 = arith.constant 4096 : i32
        %add3A_192 = arith.addi %add3A_191, %mul3A_190 : i32
        %add3A_193 = vector.broadcast %add3A_192 : i32 to vector<16xi32>
        %add3A_194 = arith.addi %iota3A_188, %add3A_193 : vector<16xi32>
        tpu.vector_store_idx %arg6[%add3A_175], %add3A_194 : memref<16384xi32, #tpu.memory_space<vmem>>[vector<16xi32>], vector<16xi32>,
        tpu.vector_store_idx %arg5[%add3A_176], %xor3A_120 : memref<16384xi32, #tpu.memory_space<vmem>>[vector<16xi32>], vector<16xi32>,
        %iota3A_195 = tpu.iota {dimensions = array<i32: 0>} : vector<16xi32>
        %mul3A_196 = arith.constant 16 : i32
        %mul3A_197 = arith.muli %scan3A_85, %mul3A_196 : i32
        %add3A_198 = arith.constant 8192 : i32
        %add3A_199 = arith.addi %add3A_198, %mul3A_197 : i32
        %add3A_200 = vector.broadcast %add3A_199 : i32 to vector<16xi32>
        %add3A_201 = arith.addi %iota3A_195, %add3A_200 : vector<16xi32>
        tpu.vector_store_idx %arg6[%add3A_176], %add3A_201 : memref<16384xi32, #tpu.memory_space<vmem>>[vector<16xi32>], vector<16xi32>,
        tpu.vector_store_idx %arg5[%add3A_177], %xor3A_133 : memref<16384xi32, #tpu.memory_space<vmem>>[vector<16xi32>], vector<16xi32>,
        %iota3A_202 = tpu.iota {dimensions = array<i32: 0>} : vector<16xi32>
        %mul3A_203 = arith.constant 16 : i32
        %mul3A_204 = arith.muli %scan3A_85, %mul3A_203 : i32
        %add3A_205 = arith.constant 12288 : i32
        %add3A_206 = arith.addi %add3A_205, %mul3A_204 : i32
        %add3A_207 = vector.broadcast %add3A_206 : i32 to vector<16xi32>
        %add3A_208 = arith.addi %iota3A_202, %add3A_207 : vector<16xi32>
        tpu.vector_store_idx %arg6[%add3A_177], %add3A_208 : memref<16384xi32, #tpu.memory_space<vmem>>[vector<16xi32>], vector<16xi32>,
      }
      %scan3A_34 = arith.constant 256 : i32
      %scan3A_35 = arith.constant 0 : i32
      %scan3A_36 = arith.constant 0 : i32
      %scan3A_37 = arith.constant 1024 : i32
      %scan3A_38 = arith.addi %scan3A_36, %scan3A_37 : i32
      %scan3A_39 = arith.constant 8 : i32
      scf.for %scan3A_85 = %scan3A_36 to %scan3A_38 step %scan3A_39  : i32 {
        %broadcast_in_dim3A = arith.constant 0 : i32
        %broadcast_in_dim3A_86 = vector.broadcast %broadcast_in_dim3A : i32 to vector<16xi32>
        %mul3A_87 = arith.constant 16 : i32
        %mul3A_88 = arith.muli %scan3A_85, %mul3A_87 : i32
        %swap3A = arith.index_cast %mul3A_88 : i32 to index
        %swap3A_89 = tpu.vector_load %arg8[%swap3A] {strides = array<i32>} : memref<16384xi32, #tpu.memory_space<vmem>>, vector<16xi32>,
        tpu.vector_store %arg8[%swap3A], %broadcast_in_dim3A_86 {strides = array<i32>} : memref<16384xi32, #tpu.memory_space<vmem>>, vector<16xi32>,
        %scan3A_90 = arith.constant 1 : i32
        %scan3A_91 = arith.addi %scan3A_85, %scan3A_90 : i32
        %broadcast_in_dim3A_92 = arith.constant 0 : i32
        %broadcast_in_dim3A_93 = vector.broadcast %broadcast_in_dim3A_92 : i32 to vector<16xi32>
        %mul3A_94 = arith.constant 16 : i32
        %mul3A_95 = arith.muli %scan3A_91, %mul3A_94 : i32
        %swap3A_96 = arith.index_cast %mul3A_95 : i32 to index
        %swap3A_97 = tpu.vector_load %arg8[%swap3A_96] {strides = array<i32>} : memref<16384xi32, #tpu.memory_space<vmem>>, vector<16xi32>,
        tpu.vector_store %arg8[%swap3A_96], %broadcast_in_dim3A_93 {strides = array<i32>} : memref<16384xi32, #tpu.memory_space<vmem>>, vector<16xi32>,
        %scan3A_98 = arith.constant 2 : i32
        %scan3A_99 = arith.addi %scan3A_85, %scan3A_98 : i32
        %broadcast_in_dim3A_100 = arith.constant 0 : i32
        %broadcast_in_dim3A_101 = vector.broadcast %broadcast_in_dim3A_100 : i32 to vector<16xi32>
        %mul3A_102 = arith.constant 16 : i32
        %mul3A_103 = arith.muli %scan3A_99, %mul3A_102 : i32
        %swap3A_104 = arith.index_cast %mul3A_103 : i32 to index
        %swap3A_105 = tpu.vector_load %arg8[%swap3A_104] {strides = array<i32>} : memref<16384xi32, #tpu.memory_space<vmem>>, vector<16xi32>,
        tpu.vector_store %arg8[%swap3A_104], %broadcast_in_dim3A_101 {strides = array<i32>} : memref<16384xi32, #tpu.memory_space<vmem>>, vector<16xi32>,
        %scan3A_106 = arith.constant 3 : i32
        %scan3A_107 = arith.addi %scan3A_85, %scan3A_106 : i32
        %broadcast_in_dim3A_108 = arith.constant 0 : i32
        %broadcast_in_dim3A_109 = vector.broadcast %broadcast_in_dim3A_108 : i32 to vector<16xi32>
        %mul3A_110 = arith.constant 16 : i32
        %mul3A_111 = arith.muli %scan3A_107, %mul3A_110 : i32
        %swap3A_112 = arith.index_cast %mul3A_111 : i32 to index
        %swap3A_113 = tpu.vector_load %arg8[%swap3A_112] {strides = array<i32>} : memref<16384xi32, #tpu.memory_space<vmem>>, vector<16xi32>,
        tpu.vector_store %arg8[%swap3A_112], %broadcast_in_dim3A_109 {strides = array<i32>} : memref<16384xi32, #tpu.memory_space<vmem>>, vector<16xi32>,
        %scan3A_114 = arith.constant 4 : i32
        %scan3A_115 = arith.addi %scan3A_85, %scan3A_114 : i32
        %broadcast_in_dim3A_116 = arith.constant 0 : i32
        %broadcast_in_dim3A_117 = vector.broadcast %broadcast_in_dim3A_116 : i32 to vector<16xi32>
        %mul3A_118 = arith.constant 16 : i32
        %mul3A_119 = arith.muli %scan3A_115, %mul3A_118 : i32
        %swap3A_120 = arith.index_cast %mul3A_119 : i32 to index
        %swap3A_121 = tpu.vector_load %arg8[%swap3A_120] {strides = array<i32>} : memref<16384xi32, #tpu.memory_space<vmem>>, vector<16xi32>,
        tpu.vector_store %arg8[%swap3A_120], %broadcast_in_dim3A_117 {strides = array<i32>} : memref<16384xi32, #tpu.memory_space<vmem>>, vector<16xi32>,
        %scan3A_122 = arith.constant 5 : i32
        %scan3A_123 = arith.addi %scan3A_85, %scan3A_122 : i32
        %broadcast_in_dim3A_124 = arith.constant 0 : i32
        %broadcast_in_dim3A_125 = vector.broadcast %broadcast_in_dim3A_124 : i32 to vector<16xi32>
        %mul3A_126 = arith.constant 16 : i32
        %mul3A_127 = arith.muli %scan3A_123, %mul3A_126 : i32
        %swap3A_128 = arith.index_cast %mul3A_127 : i32 to index
        %swap3A_129 = tpu.vector_load %arg8[%swap3A_128] {strides = array<i32>} : memref<16384xi32, #tpu.memory_space<vmem>>, vector<16xi32>,
        tpu.vector_store %arg8[%swap3A_128], %broadcast_in_dim3A_125 {strides = array<i32>} : memref<16384xi32, #tpu.memory_space<vmem>>, vector<16xi32>,
        %scan3A_130 = arith.constant 6 : i32
        %scan3A_131 = arith.addi %scan3A_85, %scan3A_130 : i32
        %broadcast_in_dim3A_132 = arith.constant 0 : i32
        %broadcast_in_dim3A_133 = vector.broadcast %broadcast_in_dim3A_132 : i32 to vector<16xi32>
        %mul3A_134 = arith.constant 16 : i32
        %mul3A_135 = arith.muli %scan3A_131, %mul3A_134 : i32
        %swap3A_136 = arith.index_cast %mul3A_135 : i32 to index
        %swap3A_137 = tpu.vector_load %arg8[%swap3A_136] {strides = array<i32>} : memref<16384xi32, #tpu.memory_space<vmem>>, vector<16xi32>,
        tpu.vector_store %arg8[%swap3A_136], %broadcast_in_dim3A_133 {strides = array<i32>} : memref<16384xi32, #tpu.memory_space<vmem>>, vector<16xi32>,
        %scan3A_138 = arith.constant 7 : i32
        %scan3A_139 = arith.addi %scan3A_85, %scan3A_138 : i32
        %broadcast_in_dim3A_140 = arith.constant 0 : i32
        %broadcast_in_dim3A_141 = vector.broadcast %broadcast_in_dim3A_140 : i32 to vector<16xi32>
        %mul3A_142 = arith.constant 16 : i32
        %mul3A_143 = arith.muli %scan3A_139, %mul3A_142 : i32
        %swap3A_144 = arith.index_cast %mul3A_143 : i32 to index
        %swap3A_145 = tpu.vector_load %arg8[%swap3A_144] {strides = array<i32>} : memref<16384xi32, #tpu.memory_space<vmem>>, vector<16xi32>,
        tpu.vector_store %arg8[%swap3A_144], %broadcast_in_dim3A_141 {strides = array<i32>} : memref<16384xi32, #tpu.memory_space<vmem>>, vector<16xi32>,
      }
      %scan3A_40 = arith.constant 1024 : i32
      %scan3A_41 = arith.constant 0 : i32
      %scan3A_42 = arith.constant 0 : i32
      %scan3A_43 = arith.constant 256 : i32
      %scan3A_44 = arith.addi %scan3A_42, %scan3A_43 : i32
      %scan3A_45 = arith.constant 1 : i32
      scf.for %scan3A_85 = %scan3A_42 to %scan3A_44 step %scan3A_45  : i32 {
        %mul3A_86 = arith.constant 16 : i32
        %mul3A_87 = arith.muli %scan3A_85, %mul3A_86 : i32
        %add3A_88 = arith.constant 0 : i32
        %add3A_89 = arith.addi %add3A_88, %mul3A_87 : i32
        %get3A = arith.index_cast %add3A_89 : i32 to index
        %get3A_90 = tpu.vector_load %arg5[%get3A] {strides = array<i32>} : memref<16384xi32, #tpu.memory_space<vmem>>, vector<16xi32>,
        %mul3A_91 = arith.constant 16 : i32
        %mul3A_92 = arith.muli %scan3A_85, %mul3A_91 : i32
        %add3A_93 = arith.constant 4096 : i32
        %add3A_94 = arith.addi %add3A_93, %mul3A_92 : i32
        %get3A_95 = arith.index_cast %add3A_94 : i32 to index
        %get3A_96 = tpu.vector_load %arg5[%get3A_95] {strides = array<i32>} : memref<16384xi32, #tpu.memory_space<vmem>>, vector<16xi32>,
        %mul3A_97 = arith.constant 16 : i32
        %mul3A_98 = arith.muli %scan3A_85, %mul3A_97 : i32
        %add3A_99 = arith.constant 8192 : i32
        %add3A_100 = arith.addi %add3A_99, %mul3A_98 : i32
        %get3A_101 = arith.index_cast %add3A_100 : i32 to index
        %get3A_102 = tpu.vector_load %arg5[%get3A_101] {strides = array<i32>} : memref<16384xi32, #tpu.memory_space<vmem>>, vector<16xi32>,
        %mul3A_103 = arith.constant 16 : i32
        %mul3A_104 = arith.muli %scan3A_85, %mul3A_103 : i32
        %add3A_105 = arith.constant 12288 : i32
        %add3A_106 = arith.addi %add3A_105, %mul3A_104 : i32
        %get3A_107 = arith.index_cast %add3A_106 : i32 to index
        %get3A_108 = tpu.vector_load %arg5[%get3A_107] {strides = array<i32>} : memref<16384xi32, #tpu.memory_space<vmem>>, vector<16xi32>,
        %bitcast3A = vector.bitcast %get3A_90 : vector<16xi32> to vector<16xi32>
        %shift_right_logical3A = arith.constant 11 : i32
        %shift_right_logical3A_109 = vector.broadcast %shift_right_logical3A : i32 to vector<16xi32>
        %shift_right_logical3A_110 = arith.shrui %bitcast3A, %shift_right_logical3A_109 : vector<16xi32>
        %bitcast3A_111 = vector.bitcast %shift_right_logical3A_110 : vector<16xi32> to vector<16xi32>
        %and3A = arith.constant 2047 : i32
        %and3A_112 = vector.broadcast %and3A : i32 to vector<16xi32>
        %and3A_113 = arith.andi %bitcast3A_111, %and3A_112 : vector<16xi32>
        %add3A_114 = arith.constant 0 : i32
        %add3A_115 = vector.broadcast %add3A_114 : i32 to vector<16xi32>
        %add3A_116 = arith.addi %and3A_113, %add3A_115 : vector<16xi32>
        %bitcast3A_117 = vector.bitcast %get3A_96 : vector<16xi32> to vector<16xi32>
        %shift_right_logical3A_118 = arith.constant 11 : i32
        %shift_right_logical3A_119 = vector.broadcast %shift_right_logical3A_118 : i32 to vector<16xi32>
        %shift_right_logical3A_120 = arith.shrui %bitcast3A_117, %shift_right_logical3A_119 : vector<16xi32>
        %bitcast3A_121 = vector.bitcast %shift_right_logical3A_120 : vector<16xi32> to vector<16xi32>
        %and3A_122 = arith.constant 2047 : i32
        %and3A_123 = vector.broadcast %and3A_122 : i32 to vector<16xi32>
        %and3A_124 = arith.andi %bitcast3A_121, %and3A_123 : vector<16xi32>
        %add3A_125 = arith.constant 4096 : i32
        %add3A_126 = vector.broadcast %add3A_125 : i32 to vector<16xi32>
        %add3A_127 = arith.addi %and3A_124, %add3A_126 : vector<16xi32>
        %bitcast3A_128 = vector.bitcast %get3A_102 : vector<16xi32> to vector<16xi32>
        %shift_right_logical3A_129 = arith.constant 11 : i32
        %shift_right_logical3A_130 = vector.broadcast %shift_right_logical3A_129 : i32 to vector<16xi32>
        %shift_right_logical3A_131 = arith.shrui %bitcast3A_128, %shift_right_logical3A_130 : vector<16xi32>
        %bitcast3A_132 = vector.bitcast %shift_right_logical3A_131 : vector<16xi32> to vector<16xi32>
        %and3A_133 = arith.constant 2047 : i32
        %and3A_134 = vector.broadcast %and3A_133 : i32 to vector<16xi32>
        %and3A_135 = arith.andi %bitcast3A_132, %and3A_134 : vector<16xi32>
        %add3A_136 = arith.constant 8192 : i32
        %add3A_137 = vector.broadcast %add3A_136 : i32 to vector<16xi32>
        %add3A_138 = arith.addi %and3A_135, %add3A_137 : vector<16xi32>
        %bitcast3A_139 = vector.bitcast %get3A_108 : vector<16xi32> to vector<16xi32>
        %shift_right_logical3A_140 = arith.constant 11 : i32
        %shift_right_logical3A_141 = vector.broadcast %shift_right_logical3A_140 : i32 to vector<16xi32>
        %shift_right_logical3A_142 = arith.shrui %bitcast3A_139, %shift_right_logical3A_141 : vector<16xi32>
        %bitcast3A_143 = vector.bitcast %shift_right_logical3A_142 : vector<16xi32> to vector<16xi32>
        %and3A_144 = arith.constant 2047 : i32
        %and3A_145 = vector.broadcast %and3A_144 : i32 to vector<16xi32>
        %and3A_146 = arith.andi %bitcast3A_143, %and3A_145 : vector<16xi32>
        %add3A_147 = arith.constant 12288 : i32
        %add3A_148 = vector.broadcast %add3A_147 : i32 to vector<16xi32>
        %add3A_149 = arith.addi %and3A_146, %add3A_148 : vector<16xi32>
        %broadcast_in_dim3A = arith.constant true
        %broadcast_in_dim3A_150 = vector.broadcast %broadcast_in_dim3A : i1 to vector<16xi1>
        %unique3A, %unique3A_151 = tpu.scan_count mask(%broadcast_in_dim3A_150 : vector<16xi1>) value(%add3A_116 : vector<16xi32>) : vector<16xi1>, vector<16xi32>
        %broadcast_in_dim3A_152 = arith.constant true
        %broadcast_in_dim3A_153 = vector.broadcast %broadcast_in_dim3A_152 : i1 to vector<16xi1>
        %unique3A_154, %unique3A_155 = tpu.scan_count mask(%broadcast_in_dim3A_153 : vector<16xi1>) value(%add3A_127 : vector<16xi32>) : vector<16xi1>, vector<16xi32>
        %broadcast_in_dim3A_156 = arith.constant true
        %broadcast_in_dim3A_157 = vector.broadcast %broadcast_in_dim3A_156 : i1 to vector<16xi1>
        %unique3A_158, %unique3A_159 = tpu.scan_count mask(%broadcast_in_dim3A_157 : vector<16xi1>) value(%add3A_138 : vector<16xi32>) : vector<16xi1>, vector<16xi32>
        %broadcast_in_dim3A_160 = arith.constant true
        %broadcast_in_dim3A_161 = vector.broadcast %broadcast_in_dim3A_160 : i1 to vector<16xi1>
        %unique3A_162, %unique3A_163 = tpu.scan_count mask(%broadcast_in_dim3A_161 : vector<16xi1>) value(%add3A_149 : vector<16xi32>) : vector<16xi1>, vector<16xi32>
        %gather3A = tpu.vector_load_idx %arg8[%add3A_116] : memref<16384xi32, #tpu.memory_space<vmem>>[vector<16xi32>], vector<16xi32>,
        %gather3A_164 = tpu.vector_load_idx %arg8[%add3A_127] : memref<16384xi32, #tpu.memory_space<vmem>>[vector<16xi32>], vector<16xi32>,
        %gather3A_165 = tpu.vector_load_idx %arg8[%add3A_138] : memref<16384xi32, #tpu.memory_space<vmem>>[vector<16xi32>], vector<16xi32>,
        %gather3A_166 = tpu.vector_load_idx %arg8[%add3A_149] : memref<16384xi32, #tpu.memory_space<vmem>>[vector<16xi32>], vector<16xi32>,
        %add3A_167 = arith.addi %gather3A, %unique3A_151 : vector<16xi32>
        tpu.vector_store_idx %arg8[%add3A_116], %add3A_167 masked %unique3A : memref<16384xi32, #tpu.memory_space<vmem>>[vector<16xi32>], vector<16xi32>, vector<16xi1>
        %add3A_168 = arith.addi %gather3A_164, %unique3A_155 : vector<16xi32>
        tpu.vector_store_idx %arg8[%add3A_127], %add3A_168 masked %unique3A_154 : memref<16384xi32, #tpu.memory_space<vmem>>[vector<16xi32>], vector<16xi32>, vector<16xi1>
        %add3A_169 = arith.addi %gather3A_165, %unique3A_159 : vector<16xi32>
        tpu.vector_store_idx %arg8[%add3A_138], %add3A_169 masked %unique3A_158 : memref<16384xi32, #tpu.memory_space<vmem>>[vector<16xi32>], vector<16xi32>, vector<16xi1>
        %add3A_170 = arith.addi %gather3A_166, %unique3A_163 : vector<16xi32>
        tpu.vector_store_idx %arg8[%add3A_149], %add3A_170 masked %unique3A_162 : memref<16384xi32, #tpu.memory_space<vmem>>[vector<16xi32>], vector<16xi32>, vector<16xi1>
      }
      %scan3A_46 = arith.constant 256 : i32
      %scan3A_47 = arith.constant -1 : i32
      %scan3A_48 = arith.constant 0 : i32
      %scan3A_49 = arith.constant 128 : i32
      %scan3A_50 = arith.addi %scan3A_48, %scan3A_49 : i32
      %scan3A_51 = arith.constant 1 : i32
      %scan3A_52 = scf.for %scan3A_85 = %scan3A_48 to %scan3A_50 step %scan3A_51 iter_args(%scan3A_86 = %scan3A_47) -> (i32)  : i32 {
        %mul3A_87 = arith.constant 16 : i32
        %mul3A_88 = arith.muli %scan3A_85, %mul3A_87 : i32
        %add3A_89 = arith.constant 0 : i32
        %add3A_90 = arith.addi %add3A_89, %mul3A_88 : i32
        %get3A = arith.index_cast %add3A_90 : i32 to index
        %get3A_91 = tpu.vector_load %arg8[%get3A] {strides = array<i32>} : memref<16384xi32, #tpu.memory_space<vmem>>, vector<16xi32>,
        %mul3A_92 = arith.constant 16 : i32
        %mul3A_93 = arith.muli %scan3A_85, %mul3A_92 : i32
        %add3A_94 = arith.constant 4096 : i32
        %add3A_95 = arith.addi %add3A_94, %mul3A_93 : i32
        %get3A_96 = arith.index_cast %add3A_95 : i32 to index
        %get3A_97 = tpu.vector_load %arg8[%get3A_96] {strides = array<i32>} : memref<16384xi32, #tpu.memory_space<vmem>>, vector<16xi32>,
        %mul3A_98 = arith.constant 16 : i32
        %mul3A_99 = arith.muli %scan3A_85, %mul3A_98 : i32
        %add3A_100 = arith.constant 8192 : i32
        %add3A_101 = arith.addi %add3A_100, %mul3A_99 : i32
        %get3A_102 = arith.index_cast %add3A_101 : i32 to index
        %get3A_103 = tpu.vector_load %arg8[%get3A_102] {strides = array<i32>} : memref<16384xi32, #tpu.memory_space<vmem>>, vector<16xi32>,
        %mul3A_104 = arith.constant 16 : i32
        %mul3A_105 = arith.muli %scan3A_85, %mul3A_104 : i32
        %add3A_106 = arith.constant 12288 : i32
        %add3A_107 = arith.addi %add3A_106, %mul3A_105 : i32
        %get3A_108 = arith.index_cast %add3A_107 : i32 to index
        %get3A_109 = tpu.vector_load %arg8[%get3A_108] {strides = array<i32>} : memref<16384xi32, #tpu.memory_space<vmem>>, vector<16xi32>,
        %add3A_110 = arith.addi %get3A_91, %get3A_97 : vector<16xi32>
        %add3A_111 = arith.addi %add3A_110, %get3A_103 : vector<16xi32>
        %add3A_112 = arith.addi %add3A_111, %get3A_109 : vector<16xi32>
        %broadcast_in_dim3A = arith.constant true
        %broadcast_in_dim3A_113 = vector.broadcast %broadcast_in_dim3A : i1 to vector<16xi1>
        %masked_cumsum3A = tpu.scan <sum>, %add3A_112 masked %broadcast_in_dim3A_113 : vector<16xi32>, vector<16xi1> -> vector<16xi32>
        %sub3A = arith.subi %masked_cumsum3A, %add3A_112 : vector<16xi32>
        %add3A_114 = vector.broadcast %scan3A_86 : i32 to vector<16xi32>
        %add3A_115 = arith.addi %sub3A, %add3A_114 : vector<16xi32>
        %mul3A_116 = arith.constant 16 : i32
        %mul3A_117 = arith.muli %scan3A_85, %mul3A_116 : i32
        %add3A_118 = arith.constant 0 : i32
        %add3A_119 = arith.addi %add3A_118, %mul3A_117 : i32
        %swap3A = arith.index_cast %add3A_119 : i32 to index
        %swap3A_120 = tpu.vector_load %arg8[%swap3A] {strides = array<i32>} : memref<16384xi32, #tpu.memory_space<vmem>>, vector<16xi32>,
        tpu.vector_store %arg8[%swap3A], %add3A_115 {strides = array<i32>} : memref<16384xi32, #tpu.memory_space<vmem>>, vector<16xi32>,
        %add3A_121 = arith.addi %add3A_115, %get3A_91 : vector<16xi32>
        %mul3A_122 = arith.constant 16 : i32
        %mul3A_123 = arith.muli %scan3A_85, %mul3A_122 : i32
        %add3A_124 = arith.constant 4096 : i32
        %add3A_125 = arith.addi %add3A_124, %mul3A_123 : i32
        %swap3A_126 = arith.index_cast %add3A_125 : i32 to index
        %swap3A_127 = tpu.vector_load %arg8[%swap3A_126] {strides = array<i32>} : memref<16384xi32, #tpu.memory_space<vmem>>, vector<16xi32>,
        tpu.vector_store %arg8[%swap3A_126], %add3A_121 {strides = array<i32>} : memref<16384xi32, #tpu.memory_space<vmem>>, vector<16xi32>,
        %add3A_128 = arith.addi %add3A_115, %add3A_110 : vector<16xi32>
        %mul3A_129 = arith.constant 16 : i32
        %mul3A_130 = arith.muli %scan3A_85, %mul3A_129 : i32
        %add3A_131 = arith.constant 8192 : i32
        %add3A_132 = arith.addi %add3A_131, %mul3A_130 : i32
        %swap3A_133 = arith.index_cast %add3A_132 : i32 to index
        %swap3A_134 = tpu.vector_load %arg8[%swap3A_133] {strides = array<i32>} : memref<16384xi32, #tpu.memory_space<vmem>>, vector<16xi32>,
        tpu.vector_store %arg8[%swap3A_133], %add3A_128 {strides = array<i32>} : memref<16384xi32, #tpu.memory_space<vmem>>, vector<16xi32>,
        %add3A_135 = arith.addi %add3A_115, %add3A_111 : vector<16xi32>
        %mul3A_136 = arith.constant 16 : i32
        %mul3A_137 = arith.muli %scan3A_85, %mul3A_136 : i32
        %add3A_138 = arith.constant 12288 : i32
        %add3A_139 = arith.addi %add3A_138, %mul3A_137 : i32
        %swap3A_140 = arith.index_cast %add3A_139 : i32 to index
        %swap3A_141 = tpu.vector_load %arg8[%swap3A_140] {strides = array<i32>} : memref<16384xi32, #tpu.memory_space<vmem>>, vector<16xi32>,
        tpu.vector_store %arg8[%swap3A_140], %add3A_135 {strides = array<i32>} : memref<16384xi32, #tpu.memory_space<vmem>>, vector<16xi32>,
        %reduce_sum3A = arith.constant true
        %reduce_sum3A_142 = vector.broadcast %reduce_sum3A : i1 to vector<16xi1>
        %reduce_sum3A_143 = tpu.scan <sum>, %add3A_112 masked %reduce_sum3A_142 : vector<16xi32>, vector<16xi1> -> vector<16xi32>
        %reduce_sum3A_144 = vector.extract %reduce_sum3A_143[15] : i32 from vector<16xi32>
        %add3A_145 = arith.addi %scan3A_86, %reduce_sum3A_144 : i32
        scf.yield %add3A_145 : i32
      }
      %scan3A_53 = arith.constant 128 : i32
      %scan3A_54 = arith.constant 0 : i32
      %scan3A_55 = arith.constant 0 : i32
      %scan3A_56 = arith.constant 256 : i32
      %scan3A_57 = arith.addi %scan3A_55, %scan3A_56 : i32
      %scan3A_58 = arith.constant 1 : i32
      scf.for %scan3A_85 = %scan3A_55 to %scan3A_57 step %scan3A_58  : i32 {
        %mul3A_86 = arith.constant 16 : i32
        %mul3A_87 = arith.muli %scan3A_85, %mul3A_86 : i32
        %add3A_88 = arith.constant 0 : i32
        %add3A_89 = arith.addi %add3A_88, %mul3A_87 : i32
        %get3A = arith.index_cast %add3A_89 : i32 to index
        %get3A_90 = tpu.vector_load %arg5[%get3A] {strides = array<i32>} : memref<16384xi32, #tpu.memory_space<vmem>>, vector<16xi32>,
        %mul3A_91 = arith.constant 16 : i32
        %mul3A_92 = arith.muli %scan3A_85, %mul3A_91 : i32
        %add3A_93 = arith.constant 4096 : i32
        %add3A_94 = arith.addi %add3A_93, %mul3A_92 : i32
        %get3A_95 = arith.index_cast %add3A_94 : i32 to index
        %get3A_96 = tpu.vector_load %arg5[%get3A_95] {strides = array<i32>} : memref<16384xi32, #tpu.memory_space<vmem>>, vector<16xi32>,
        %mul3A_97 = arith.constant 16 : i32
        %mul3A_98 = arith.muli %scan3A_85, %mul3A_97 : i32
        %add3A_99 = arith.constant 8192 : i32
        %add3A_100 = arith.addi %add3A_99, %mul3A_98 : i32
        %get3A_101 = arith.index_cast %add3A_100 : i32 to index
        %get3A_102 = tpu.vector_load %arg5[%get3A_101] {strides = array<i32>} : memref<16384xi32, #tpu.memory_space<vmem>>, vector<16xi32>,
        %mul3A_103 = arith.constant 16 : i32
        %mul3A_104 = arith.muli %scan3A_85, %mul3A_103 : i32
        %add3A_105 = arith.constant 12288 : i32
        %add3A_106 = arith.addi %add3A_105, %mul3A_104 : i32
        %get3A_107 = arith.index_cast %add3A_106 : i32 to index
        %get3A_108 = tpu.vector_load %arg5[%get3A_107] {strides = array<i32>} : memref<16384xi32, #tpu.memory_space<vmem>>, vector<16xi32>,
        %mul3A_109 = arith.constant 16 : i32
        %mul3A_110 = arith.muli %scan3A_85, %mul3A_109 : i32
        %add3A_111 = arith.constant 0 : i32
        %add3A_112 = arith.addi %add3A_111, %mul3A_110 : i32
        %get3A_113 = arith.index_cast %add3A_112 : i32 to index
        %get3A_114 = tpu.vector_load %arg6[%get3A_113] {strides = array<i32>} : memref<16384xi32, #tpu.memory_space<vmem>>, vector<16xi32>,
        %mul3A_115 = arith.constant 16 : i32
        %mul3A_116 = arith.muli %scan3A_85, %mul3A_115 : i32
        %add3A_117 = arith.constant 4096 : i32
        %add3A_118 = arith.addi %add3A_117, %mul3A_116 : i32
        %get3A_119 = arith.index_cast %add3A_118 : i32 to index
        %get3A_120 = tpu.vector_load %arg6[%get3A_119] {strides = array<i32>} : memref<16384xi32, #tpu.memory_space<vmem>>, vector<16xi32>,
        %mul3A_121 = arith.constant 16 : i32
        %mul3A_122 = arith.muli %scan3A_85, %mul3A_121 : i32
        %add3A_123 = arith.constant 8192 : i32
        %add3A_124 = arith.addi %add3A_123, %mul3A_122 : i32
        %get3A_125 = arith.index_cast %add3A_124 : i32 to index
        %get3A_126 = tpu.vector_load %arg6[%get3A_125] {strides = array<i32>} : memref<16384xi32, #tpu.memory_space<vmem>>, vector<16xi32>,
        %mul3A_127 = arith.constant 16 : i32
        %mul3A_128 = arith.muli %scan3A_85, %mul3A_127 : i32
        %add3A_129 = arith.constant 12288 : i32
        %add3A_130 = arith.addi %add3A_129, %mul3A_128 : i32
        %get3A_131 = arith.index_cast %add3A_130 : i32 to index
        %get3A_132 = tpu.vector_load %arg6[%get3A_131] {strides = array<i32>} : memref<16384xi32, #tpu.memory_space<vmem>>, vector<16xi32>,
        %bitcast3A = vector.bitcast %get3A_90 : vector<16xi32> to vector<16xi32>
        %shift_right_logical3A = arith.constant 11 : i32
        %shift_right_logical3A_133 = vector.broadcast %shift_right_logical3A : i32 to vector<16xi32>
        %shift_right_logical3A_134 = arith.shrui %bitcast3A, %shift_right_logical3A_133 : vector<16xi32>
        %bitcast3A_135 = vector.bitcast %shift_right_logical3A_134 : vector<16xi32> to vector<16xi32>
        %and3A = arith.constant 2047 : i32
        %and3A_136 = vector.broadcast %and3A : i32 to vector<16xi32>
        %and3A_137 = arith.andi %bitcast3A_135, %and3A_136 : vector<16xi32>
        %add3A_138 = arith.constant 0 : i32
        %add3A_139 = vector.broadcast %add3A_138 : i32 to vector<16xi32>
        %add3A_140 = arith.addi %and3A_137, %add3A_139 : vector<16xi32>
        %bitcast3A_141 = vector.bitcast %get3A_96 : vector<16xi32> to vector<16xi32>
        %shift_right_logical3A_142 = arith.constant 11 : i32
        %shift_right_logical3A_143 = vector.broadcast %shift_right_logical3A_142 : i32 to vector<16xi32>
        %shift_right_logical3A_144 = arith.shrui %bitcast3A_141, %shift_right_logical3A_143 : vector<16xi32>
        %bitcast3A_145 = vector.bitcast %shift_right_logical3A_144 : vector<16xi32> to vector<16xi32>
        %and3A_146 = arith.constant 2047 : i32
        %and3A_147 = vector.broadcast %and3A_146 : i32 to vector<16xi32>
        %and3A_148 = arith.andi %bitcast3A_145, %and3A_147 : vector<16xi32>
        %add3A_149 = arith.constant 4096 : i32
        %add3A_150 = vector.broadcast %add3A_149 : i32 to vector<16xi32>
        %add3A_151 = arith.addi %and3A_148, %add3A_150 : vector<16xi32>
        %bitcast3A_152 = vector.bitcast %get3A_102 : vector<16xi32> to vector<16xi32>
        %shift_right_logical3A_153 = arith.constant 11 : i32
        %shift_right_logical3A_154 = vector.broadcast %shift_right_logical3A_153 : i32 to vector<16xi32>
        %shift_right_logical3A_155 = arith.shrui %bitcast3A_152, %shift_right_logical3A_154 : vector<16xi32>
        %bitcast3A_156 = vector.bitcast %shift_right_logical3A_155 : vector<16xi32> to vector<16xi32>
        %and3A_157 = arith.constant 2047 : i32
        %and3A_158 = vector.broadcast %and3A_157 : i32 to vector<16xi32>
        %and3A_159 = arith.andi %bitcast3A_156, %and3A_158 : vector<16xi32>
        %add3A_160 = arith.constant 8192 : i32
        %add3A_161 = vector.broadcast %add3A_160 : i32 to vector<16xi32>
        %add3A_162 = arith.addi %and3A_159, %add3A_161 : vector<16xi32>
        %bitcast3A_163 = vector.bitcast %get3A_108 : vector<16xi32> to vector<16xi32>
        %shift_right_logical3A_164 = arith.constant 11 : i32
        %shift_right_logical3A_165 = vector.broadcast %shift_right_logical3A_164 : i32 to vector<16xi32>
        %shift_right_logical3A_166 = arith.shrui %bitcast3A_163, %shift_right_logical3A_165 : vector<16xi32>
        %bitcast3A_167 = vector.bitcast %shift_right_logical3A_166 : vector<16xi32> to vector<16xi32>
        %and3A_168 = arith.constant 2047 : i32
        %and3A_169 = vector.broadcast %and3A_168 : i32 to vector<16xi32>
        %and3A_170 = arith.andi %bitcast3A_167, %and3A_169 : vector<16xi32>
        %add3A_171 = arith.constant 12288 : i32
        %add3A_172 = vector.broadcast %add3A_171 : i32 to vector<16xi32>
        %add3A_173 = arith.addi %and3A_170, %add3A_172 : vector<16xi32>
        %broadcast_in_dim3A = arith.constant true
        %broadcast_in_dim3A_174 = vector.broadcast %broadcast_in_dim3A : i1 to vector<16xi1>
        %unique3A, %unique3A_175 = tpu.scan_count mask(%broadcast_in_dim3A_174 : vector<16xi1>) value(%add3A_140 : vector<16xi32>) : vector<16xi1>, vector<16xi32>
        %broadcast_in_dim3A_176 = arith.constant true
        %broadcast_in_dim3A_177 = vector.broadcast %broadcast_in_dim3A_176 : i1 to vector<16xi1>
        %unique3A_178, %unique3A_179 = tpu.scan_count mask(%broadcast_in_dim3A_177 : vector<16xi1>) value(%add3A_151 : vector<16xi32>) : vector<16xi1>, vector<16xi32>
        %broadcast_in_dim3A_180 = arith.constant true
        %broadcast_in_dim3A_181 = vector.broadcast %broadcast_in_dim3A_180 : i1 to vector<16xi1>
        %unique3A_182, %unique3A_183 = tpu.scan_count mask(%broadcast_in_dim3A_181 : vector<16xi1>) value(%add3A_162 : vector<16xi32>) : vector<16xi1>, vector<16xi32>
        %broadcast_in_dim3A_184 = arith.constant true
        %broadcast_in_dim3A_185 = vector.broadcast %broadcast_in_dim3A_184 : i1 to vector<16xi1>
        %unique3A_186, %unique3A_187 = tpu.scan_count mask(%broadcast_in_dim3A_185 : vector<16xi1>) value(%add3A_173 : vector<16xi32>) : vector<16xi1>, vector<16xi32>
        %gather3A = tpu.vector_load_idx %arg8[%add3A_140] : memref<16384xi32, #tpu.memory_space<vmem>>[vector<16xi32>], vector<16xi32>,
        %gather3A_188 = tpu.vector_load_idx %arg8[%add3A_151] : memref<16384xi32, #tpu.memory_space<vmem>>[vector<16xi32>], vector<16xi32>,
        %gather3A_189 = tpu.vector_load_idx %arg8[%add3A_162] : memref<16384xi32, #tpu.memory_space<vmem>>[vector<16xi32>], vector<16xi32>,
        %gather3A_190 = tpu.vector_load_idx %arg8[%add3A_173] : memref<16384xi32, #tpu.memory_space<vmem>>[vector<16xi32>], vector<16xi32>,
        %add3A_191 = arith.addi %gather3A, %unique3A_175 : vector<16xi32>
        %add3A_192 = arith.addi %gather3A_188, %unique3A_179 : vector<16xi32>
        %add3A_193 = arith.addi %gather3A_189, %unique3A_183 : vector<16xi32>
        %add3A_194 = arith.addi %gather3A_190, %unique3A_187 : vector<16xi32>
        %add3A_195 = arith.addi %gather3A, %unique3A_175 : vector<16xi32>
        tpu.vector_store_idx %arg8[%add3A_140], %add3A_195 masked %unique3A : memref<16384xi32, #tpu.memory_space<vmem>>[vector<16xi32>], vector<16xi32>, vector<16xi1>
        %add3A_196 = arith.addi %gather3A_188, %unique3A_179 : vector<16xi32>
        tpu.vector_store_idx %arg8[%add3A_151], %add3A_196 masked %unique3A_178 : memref<16384xi32, #tpu.memory_space<vmem>>[vector<16xi32>], vector<16xi32>, vector<16xi1>
        %add3A_197 = arith.addi %gather3A_189, %unique3A_183 : vector<16xi32>
        tpu.vector_store_idx %arg8[%add3A_162], %add3A_197 masked %unique3A_182 : memref<16384xi32, #tpu.memory_space<vmem>>[vector<16xi32>], vector<16xi32>, vector<16xi1>
        %add3A_198 = arith.addi %gather3A_190, %unique3A_187 : vector<16xi32>
        tpu.vector_store_idx %arg8[%add3A_173], %add3A_198 masked %unique3A_186 : memref<16384xi32, #tpu.memory_space<vmem>>[vector<16xi32>], vector<16xi32>, vector<16xi1>
        %bitcast3A_199 = vector.bitcast %get3A_90 : vector<16xi32> to vector<16xi32>
        %shift_right_logical3A_200 = arith.constant 22 : i32
        %shift_right_logical3A_201 = vector.broadcast %shift_right_logical3A_200 : i32 to vector<16xi32>
        %shift_right_logical3A_202 = arith.shrui %bitcast3A_199, %shift_right_logical3A_201 : vector<16xi32>
        %bitcast3A_203 = vector.bitcast %shift_right_logical3A_202 : vector<16xi32> to vector<16xi32>
        %bitcast3A_204 = vector.bitcast %get3A_96 : vector<16xi32> to vector<16xi32>
        %shift_right_logical3A_205 = arith.constant 22 : i32
        %shift_right_logical3A_206 = vector.broadcast %shift_right_logical3A_205 : i32 to vector<16xi32>
        %shift_right_logical3A_207 = arith.shrui %bitcast3A_204, %shift_right_logical3A_206 : vector<16xi32>
        %bitcast3A_208 = vector.bitcast %shift_right_logical3A_207 : vector<16xi32> to vector<16xi32>
        %bitcast3A_209 = vector.bitcast %get3A_102 : vector<16xi32> to vector<16xi32>
        %shift_right_logical3A_210 = arith.constant 22 : i32
        %shift_right_logical3A_211 = vector.broadcast %shift_right_logical3A_210 : i32 to vector<16xi32>
        %shift_right_logical3A_212 = arith.shrui %bitcast3A_209, %shift_right_logical3A_211 : vector<16xi32>
        %bitcast3A_213 = vector.bitcast %shift_right_logical3A_212 : vector<16xi32> to vector<16xi32>
        %bitcast3A_214 = vector.bitcast %get3A_108 : vector<16xi32> to vector<16xi32>
        %shift_right_logical3A_215 = arith.constant 22 : i32
        %shift_right_logical3A_216 = vector.broadcast %shift_right_logical3A_215 : i32 to vector<16xi32>
        %shift_right_logical3A_217 = arith.shrui %bitcast3A_214, %shift_right_logical3A_216 : vector<16xi32>
        %bitcast3A_218 = vector.bitcast %shift_right_logical3A_217 : vector<16xi32> to vector<16xi32>
        %bitcast3A_219 = vector.bitcast %bitcast3A_203 : vector<16xi32> to vector<16xi32>
        %shift_left3A = arith.constant 14 : i32
        %shift_left3A_220 = vector.broadcast %shift_left3A : i32 to vector<16xi32>
        %shift_left3A_221 = arith.shli %bitcast3A_219, %shift_left3A_220 : vector<16xi32>
        %bitcast3A_222 = vector.bitcast %shift_left3A_221 : vector<16xi32> to vector<16xi32>
        %or3A = arith.ori %bitcast3A_222, %get3A_114 : vector<16xi32>
        tpu.vector_store_idx %arg4[%add3A_191], %or3A : memref<16384xi32, #tpu.memory_space<vmem>>[vector<16xi32>], vector<16xi32>,
        %bitcast3A_223 = vector.bitcast %bitcast3A_208 : vector<16xi32> to vector<16xi32>
        %shift_left3A_224 = arith.constant 14 : i32
        %shift_left3A_225 = vector.broadcast %shift_left3A_224 : i32 to vector<16xi32>
        %shift_left3A_226 = arith.shli %bitcast3A_223, %shift_left3A_225 : vector<16xi32>
        %bitcast3A_227 = vector.bitcast %shift_left3A_226 : vector<16xi32> to vector<16xi32>
        %or3A_228 = arith.ori %bitcast3A_227, %get3A_120 : vector<16xi32>
        tpu.vector_store_idx %arg4[%add3A_192], %or3A_228 : memref<16384xi32, #tpu.memory_space<vmem>>[vector<16xi32>], vector<16xi32>,
        %bitcast3A_229 = vector.bitcast %bitcast3A_213 : vector<16xi32> to vector<16xi32>
        %shift_left3A_230 = arith.constant 14 : i32
        %shift_left3A_231 = vector.broadcast %shift_left3A_230 : i32 to vector<16xi32>
        %shift_left3A_232 = arith.shli %bitcast3A_229, %shift_left3A_231 : vector<16xi32>
        %bitcast3A_233 = vector.bitcast %shift_left3A_232 : vector<16xi32> to vector<16xi32>
        %or3A_234 = arith.ori %bitcast3A_233, %get3A_126 : vector<16xi32>
        tpu.vector_store_idx %arg4[%add3A_193], %or3A_234 : memref<16384xi32, #tpu.memory_space<vmem>>[vector<16xi32>], vector<16xi32>,
        %bitcast3A_235 = vector.bitcast %bitcast3A_218 : vector<16xi32> to vector<16xi32>
        %shift_left3A_236 = arith.constant 14 : i32
        %shift_left3A_237 = vector.broadcast %shift_left3A_236 : i32 to vector<16xi32>
        %shift_left3A_238 = arith.shli %bitcast3A_235, %shift_left3A_237 : vector<16xi32>
        %bitcast3A_239 = vector.bitcast %shift_left3A_238 : vector<16xi32> to vector<16xi32>
        %or3A_240 = arith.ori %bitcast3A_239, %get3A_132 : vector<16xi32>
        tpu.vector_store_idx %arg4[%add3A_194], %or3A_240 : memref<16384xi32, #tpu.memory_space<vmem>>[vector<16xi32>], vector<16xi32>,
      }
      %scan3A_59 = arith.constant 256 : i32
      %scan3A_60 = arith.constant 0 : i32
      %scan3A_61 = arith.constant 0 : i32
      %scan3A_62 = arith.constant 1024 : i32
      %scan3A_63 = arith.addi %scan3A_61, %scan3A_62 : i32
      %scan3A_64 = arith.constant 8 : i32
      scf.for %scan3A_85 = %scan3A_61 to %scan3A_63 step %scan3A_64  : i32 {
        %broadcast_in_dim3A = arith.constant 0 : i32
        %broadcast_in_dim3A_86 = vector.broadcast %broadcast_in_dim3A : i32 to vector<16xi32>
        %mul3A_87 = arith.constant 16 : i32
        %mul3A_88 = arith.muli %scan3A_85, %mul3A_87 : i32
        %swap3A = arith.index_cast %mul3A_88 : i32 to index
        %swap3A_89 = tpu.vector_load %arg7[%swap3A] {strides = array<i32>} : memref<16384xi32, #tpu.memory_space<vmem>>, vector<16xi32>,
        tpu.vector_store %arg7[%swap3A], %broadcast_in_dim3A_86 {strides = array<i32>} : memref<16384xi32, #tpu.memory_space<vmem>>, vector<16xi32>,
        %scan3A_90 = arith.constant 1 : i32
        %scan3A_91 = arith.addi %scan3A_85, %scan3A_90 : i32
        %broadcast_in_dim3A_92 = arith.constant 0 : i32
        %broadcast_in_dim3A_93 = vector.broadcast %broadcast_in_dim3A_92 : i32 to vector<16xi32>
        %mul3A_94 = arith.constant 16 : i32
        %mul3A_95 = arith.muli %scan3A_91, %mul3A_94 : i32
        %swap3A_96 = arith.index_cast %mul3A_95 : i32 to index
        %swap3A_97 = tpu.vector_load %arg7[%swap3A_96] {strides = array<i32>} : memref<16384xi32, #tpu.memory_space<vmem>>, vector<16xi32>,
        tpu.vector_store %arg7[%swap3A_96], %broadcast_in_dim3A_93 {strides = array<i32>} : memref<16384xi32, #tpu.memory_space<vmem>>, vector<16xi32>,
        %scan3A_98 = arith.constant 2 : i32
        %scan3A_99 = arith.addi %scan3A_85, %scan3A_98 : i32
        %broadcast_in_dim3A_100 = arith.constant 0 : i32
        %broadcast_in_dim3A_101 = vector.broadcast %broadcast_in_dim3A_100 : i32 to vector<16xi32>
        %mul3A_102 = arith.constant 16 : i32
        %mul3A_103 = arith.muli %scan3A_99, %mul3A_102 : i32
        %swap3A_104 = arith.index_cast %mul3A_103 : i32 to index
        %swap3A_105 = tpu.vector_load %arg7[%swap3A_104] {strides = array<i32>} : memref<16384xi32, #tpu.memory_space<vmem>>, vector<16xi32>,
        tpu.vector_store %arg7[%swap3A_104], %broadcast_in_dim3A_101 {strides = array<i32>} : memref<16384xi32, #tpu.memory_space<vmem>>, vector<16xi32>,
        %scan3A_106 = arith.constant 3 : i32
        %scan3A_107 = arith.addi %scan3A_85, %scan3A_106 : i32
        %broadcast_in_dim3A_108 = arith.constant 0 : i32
        %broadcast_in_dim3A_109 = vector.broadcast %broadcast_in_dim3A_108 : i32 to vector<16xi32>
        %mul3A_110 = arith.constant 16 : i32
        %mul3A_111 = arith.muli %scan3A_107, %mul3A_110 : i32
        %swap3A_112 = arith.index_cast %mul3A_111 : i32 to index
        %swap3A_113 = tpu.vector_load %arg7[%swap3A_112] {strides = array<i32>} : memref<16384xi32, #tpu.memory_space<vmem>>, vector<16xi32>,
        tpu.vector_store %arg7[%swap3A_112], %broadcast_in_dim3A_109 {strides = array<i32>} : memref<16384xi32, #tpu.memory_space<vmem>>, vector<16xi32>,
        %scan3A_114 = arith.constant 4 : i32
        %scan3A_115 = arith.addi %scan3A_85, %scan3A_114 : i32
        %broadcast_in_dim3A_116 = arith.constant 0 : i32
        %broadcast_in_dim3A_117 = vector.broadcast %broadcast_in_dim3A_116 : i32 to vector<16xi32>
        %mul3A_118 = arith.constant 16 : i32
        %mul3A_119 = arith.muli %scan3A_115, %mul3A_118 : i32
        %swap3A_120 = arith.index_cast %mul3A_119 : i32 to index
        %swap3A_121 = tpu.vector_load %arg7[%swap3A_120] {strides = array<i32>} : memref<16384xi32, #tpu.memory_space<vmem>>, vector<16xi32>,
        tpu.vector_store %arg7[%swap3A_120], %broadcast_in_dim3A_117 {strides = array<i32>} : memref<16384xi32, #tpu.memory_space<vmem>>, vector<16xi32>,
        %scan3A_122 = arith.constant 5 : i32
        %scan3A_123 = arith.addi %scan3A_85, %scan3A_122 : i32
        %broadcast_in_dim3A_124 = arith.constant 0 : i32
        %broadcast_in_dim3A_125 = vector.broadcast %broadcast_in_dim3A_124 : i32 to vector<16xi32>
        %mul3A_126 = arith.constant 16 : i32
        %mul3A_127 = arith.muli %scan3A_123, %mul3A_126 : i32
        %swap3A_128 = arith.index_cast %mul3A_127 : i32 to index
        %swap3A_129 = tpu.vector_load %arg7[%swap3A_128] {strides = array<i32>} : memref<16384xi32, #tpu.memory_space<vmem>>, vector<16xi32>,
        tpu.vector_store %arg7[%swap3A_128], %broadcast_in_dim3A_125 {strides = array<i32>} : memref<16384xi32, #tpu.memory_space<vmem>>, vector<16xi32>,
        %scan3A_130 = arith.constant 6 : i32
        %scan3A_131 = arith.addi %scan3A_85, %scan3A_130 : i32
        %broadcast_in_dim3A_132 = arith.constant 0 : i32
        %broadcast_in_dim3A_133 = vector.broadcast %broadcast_in_dim3A_132 : i32 to vector<16xi32>
        %mul3A_134 = arith.constant 16 : i32
        %mul3A_135 = arith.muli %scan3A_131, %mul3A_134 : i32
        %swap3A_136 = arith.index_cast %mul3A_135 : i32 to index
        %swap3A_137 = tpu.vector_load %arg7[%swap3A_136] {strides = array<i32>} : memref<16384xi32, #tpu.memory_space<vmem>>, vector<16xi32>,
        tpu.vector_store %arg7[%swap3A_136], %broadcast_in_dim3A_133 {strides = array<i32>} : memref<16384xi32, #tpu.memory_space<vmem>>, vector<16xi32>,
        %scan3A_138 = arith.constant 7 : i32
        %scan3A_139 = arith.addi %scan3A_85, %scan3A_138 : i32
        %broadcast_in_dim3A_140 = arith.constant 0 : i32
        %broadcast_in_dim3A_141 = vector.broadcast %broadcast_in_dim3A_140 : i32 to vector<16xi32>
        %mul3A_142 = arith.constant 16 : i32
        %mul3A_143 = arith.muli %scan3A_139, %mul3A_142 : i32
        %swap3A_144 = arith.index_cast %mul3A_143 : i32 to index
        %swap3A_145 = tpu.vector_load %arg7[%swap3A_144] {strides = array<i32>} : memref<16384xi32, #tpu.memory_space<vmem>>, vector<16xi32>,
        tpu.vector_store %arg7[%swap3A_144], %broadcast_in_dim3A_141 {strides = array<i32>} : memref<16384xi32, #tpu.memory_space<vmem>>, vector<16xi32>,
      }
      %scan3A_65 = arith.constant 1024 : i32
      %scan3A_66 = arith.constant 0 : i32
      %scan3A_67 = arith.constant 0 : i32
      %scan3A_68 = arith.constant 256 : i32
      %scan3A_69 = arith.addi %scan3A_67, %scan3A_68 : i32
      %scan3A_70 = arith.constant 1 : i32
      scf.for %scan3A_85 = %scan3A_67 to %scan3A_69 step %scan3A_70  : i32 {
        %mul3A_86 = arith.constant 16 : i32
        %mul3A_87 = arith.muli %scan3A_85, %mul3A_86 : i32
        %add3A_88 = arith.constant 0 : i32
        %add3A_89 = arith.addi %add3A_88, %mul3A_87 : i32
        %get3A = arith.index_cast %add3A_89 : i32 to index
        %get3A_90 = tpu.vector_load %arg4[%get3A] {strides = array<i32>} : memref<16384xi32, #tpu.memory_space<vmem>>, vector<16xi32>,
        %mul3A_91 = arith.constant 16 : i32
        %mul3A_92 = arith.muli %scan3A_85, %mul3A_91 : i32
        %add3A_93 = arith.constant 4096 : i32
        %add3A_94 = arith.addi %add3A_93, %mul3A_92 : i32
        %get3A_95 = arith.index_cast %add3A_94 : i32 to index
        %get3A_96 = tpu.vector_load %arg4[%get3A_95] {strides = array<i32>} : memref<16384xi32, #tpu.memory_space<vmem>>, vector<16xi32>,
        %mul3A_97 = arith.constant 16 : i32
        %mul3A_98 = arith.muli %scan3A_85, %mul3A_97 : i32
        %add3A_99 = arith.constant 8192 : i32
        %add3A_100 = arith.addi %add3A_99, %mul3A_98 : i32
        %get3A_101 = arith.index_cast %add3A_100 : i32 to index
        %get3A_102 = tpu.vector_load %arg4[%get3A_101] {strides = array<i32>} : memref<16384xi32, #tpu.memory_space<vmem>>, vector<16xi32>,
        %mul3A_103 = arith.constant 16 : i32
        %mul3A_104 = arith.muli %scan3A_85, %mul3A_103 : i32
        %add3A_105 = arith.constant 12288 : i32
        %add3A_106 = arith.addi %add3A_105, %mul3A_104 : i32
        %get3A_107 = arith.index_cast %add3A_106 : i32 to index
        %get3A_108 = tpu.vector_load %arg4[%get3A_107] {strides = array<i32>} : memref<16384xi32, #tpu.memory_space<vmem>>, vector<16xi32>,
        %bitcast3A = vector.bitcast %get3A_90 : vector<16xi32> to vector<16xi32>
        %shift_right_logical3A = arith.constant 14 : i32
        %shift_right_logical3A_109 = vector.broadcast %shift_right_logical3A : i32 to vector<16xi32>
        %shift_right_logical3A_110 = arith.shrui %bitcast3A, %shift_right_logical3A_109 : vector<16xi32>
        %bitcast3A_111 = vector.bitcast %shift_right_logical3A_110 : vector<16xi32> to vector<16xi32>
        %add3A_112 = arith.constant 0 : i32
        %add3A_113 = vector.broadcast %add3A_112 : i32 to vector<16xi32>
        %add3A_114 = arith.addi %bitcast3A_111, %add3A_113 : vector<16xi32>
        %bitcast3A_115 = vector.bitcast %get3A_96 : vector<16xi32> to vector<16xi32>
        %shift_right_logical3A_116 = arith.constant 14 : i32
        %shift_right_logical3A_117 = vector.broadcast %shift_right_logical3A_116 : i32 to vector<16xi32>
        %shift_right_logical3A_118 = arith.shrui %bitcast3A_115, %shift_right_logical3A_117 : vector<16xi32>
        %bitcast3A_119 = vector.bitcast %shift_right_logical3A_118 : vector<16xi32> to vector<16xi32>
        %add3A_120 = arith.constant 4096 : i32
        %add3A_121 = vector.broadcast %add3A_120 : i32 to vector<16xi32>
        %add3A_122 = arith.addi %bitcast3A_119, %add3A_121 : vector<16xi32>
        %bitcast3A_123 = vector.bitcast %get3A_102 : vector<16xi32> to vector<16xi32>
        %shift_right_logical3A_124 = arith.constant 14 : i32
        %shift_right_logical3A_125 = vector.broadcast %shift_right_logical3A_124 : i32 to vector<16xi32>
        %shift_right_logical3A_126 = arith.shrui %bitcast3A_123, %shift_right_logical3A_125 : vector<16xi32>
        %bitcast3A_127 = vector.bitcast %shift_right_logical3A_126 : vector<16xi32> to vector<16xi32>
        %add3A_128 = arith.constant 8192 : i32
        %add3A_129 = vector.broadcast %add3A_128 : i32 to vector<16xi32>
        %add3A_130 = arith.addi %bitcast3A_127, %add3A_129 : vector<16xi32>
        %bitcast3A_131 = vector.bitcast %get3A_108 : vector<16xi32> to vector<16xi32>
        %shift_right_logical3A_132 = arith.constant 14 : i32
        %shift_right_logical3A_133 = vector.broadcast %shift_right_logical3A_132 : i32 to vector<16xi32>
        %shift_right_logical3A_134 = arith.shrui %bitcast3A_131, %shift_right_logical3A_133 : vector<16xi32>
        %bitcast3A_135 = vector.bitcast %shift_right_logical3A_134 : vector<16xi32> to vector<16xi32>
        %add3A_136 = arith.constant 12288 : i32
        %add3A_137 = vector.broadcast %add3A_136 : i32 to vector<16xi32>
        %add3A_138 = arith.addi %bitcast3A_135, %add3A_137 : vector<16xi32>
        %broadcast_in_dim3A = arith.constant true
        %broadcast_in_dim3A_139 = vector.broadcast %broadcast_in_dim3A : i1 to vector<16xi1>
        %unique3A, %unique3A_140 = tpu.scan_count mask(%broadcast_in_dim3A_139 : vector<16xi1>) value(%add3A_114 : vector<16xi32>) : vector<16xi1>, vector<16xi32>
        %broadcast_in_dim3A_141 = arith.constant true
        %broadcast_in_dim3A_142 = vector.broadcast %broadcast_in_dim3A_141 : i1 to vector<16xi1>
        %unique3A_143, %unique3A_144 = tpu.scan_count mask(%broadcast_in_dim3A_142 : vector<16xi1>) value(%add3A_122 : vector<16xi32>) : vector<16xi1>, vector<16xi32>
        %broadcast_in_dim3A_145 = arith.constant true
        %broadcast_in_dim3A_146 = vector.broadcast %broadcast_in_dim3A_145 : i1 to vector<16xi1>
        %unique3A_147, %unique3A_148 = tpu.scan_count mask(%broadcast_in_dim3A_146 : vector<16xi1>) value(%add3A_130 : vector<16xi32>) : vector<16xi1>, vector<16xi32>
        %broadcast_in_dim3A_149 = arith.constant true
        %broadcast_in_dim3A_150 = vector.broadcast %broadcast_in_dim3A_149 : i1 to vector<16xi1>
        %unique3A_151, %unique3A_152 = tpu.scan_count mask(%broadcast_in_dim3A_150 : vector<16xi1>) value(%add3A_138 : vector<16xi32>) : vector<16xi1>, vector<16xi32>
        %gather3A = tpu.vector_load_idx %arg7[%add3A_114] : memref<16384xi32, #tpu.memory_space<vmem>>[vector<16xi32>], vector<16xi32>,
        %gather3A_153 = tpu.vector_load_idx %arg7[%add3A_122] : memref<16384xi32, #tpu.memory_space<vmem>>[vector<16xi32>], vector<16xi32>,
        %gather3A_154 = tpu.vector_load_idx %arg7[%add3A_130] : memref<16384xi32, #tpu.memory_space<vmem>>[vector<16xi32>], vector<16xi32>,
        %gather3A_155 = tpu.vector_load_idx %arg7[%add3A_138] : memref<16384xi32, #tpu.memory_space<vmem>>[vector<16xi32>], vector<16xi32>,
        %add3A_156 = arith.addi %gather3A, %unique3A_140 : vector<16xi32>
        tpu.vector_store_idx %arg7[%add3A_114], %add3A_156 masked %unique3A : memref<16384xi32, #tpu.memory_space<vmem>>[vector<16xi32>], vector<16xi32>, vector<16xi1>
        %add3A_157 = arith.addi %gather3A_153, %unique3A_144 : vector<16xi32>
        tpu.vector_store_idx %arg7[%add3A_122], %add3A_157 masked %unique3A_143 : memref<16384xi32, #tpu.memory_space<vmem>>[vector<16xi32>], vector<16xi32>, vector<16xi1>
        %add3A_158 = arith.addi %gather3A_154, %unique3A_148 : vector<16xi32>
        tpu.vector_store_idx %arg7[%add3A_130], %add3A_158 masked %unique3A_147 : memref<16384xi32, #tpu.memory_space<vmem>>[vector<16xi32>], vector<16xi32>, vector<16xi1>
        %add3A_159 = arith.addi %gather3A_155, %unique3A_152 : vector<16xi32>
        tpu.vector_store_idx %arg7[%add3A_138], %add3A_159 masked %unique3A_151 : memref<16384xi32, #tpu.memory_space<vmem>>[vector<16xi32>], vector<16xi32>, vector<16xi1>
      }
      %scan3A_71 = arith.constant 256 : i32
      %scan3A_72 = arith.constant -1 : i32
      %scan3A_73 = arith.constant 0 : i32
      %scan3A_74 = arith.constant 64 : i32
      %scan3A_75 = arith.addi %scan3A_73, %scan3A_74 : i32
      %scan3A_76 = arith.constant 1 : i32
      %scan3A_77 = scf.for %scan3A_85 = %scan3A_73 to %scan3A_75 step %scan3A_76 iter_args(%scan3A_86 = %scan3A_72) -> (i32)  : i32 {
        %mul3A_87 = arith.constant 16 : i32
        %mul3A_88 = arith.muli %scan3A_85, %mul3A_87 : i32
        %add3A_89 = arith.constant 0 : i32
        %add3A_90 = arith.addi %add3A_89, %mul3A_88 : i32
        %get3A = arith.index_cast %add3A_90 : i32 to index
        %get3A_91 = tpu.vector_load %arg7[%get3A] {strides = array<i32>} : memref<16384xi32, #tpu.memory_space<vmem>>, vector<16xi32>,
        %mul3A_92 = arith.constant 16 : i32
        %mul3A_93 = arith.muli %scan3A_85, %mul3A_92 : i32
        %add3A_94 = arith.constant 4096 : i32
        %add3A_95 = arith.addi %add3A_94, %mul3A_93 : i32
        %get3A_96 = arith.index_cast %add3A_95 : i32 to index
        %get3A_97 = tpu.vector_load %arg7[%get3A_96] {strides = array<i32>} : memref<16384xi32, #tpu.memory_space<vmem>>, vector<16xi32>,
        %mul3A_98 = arith.constant 16 : i32
        %mul3A_99 = arith.muli %scan3A_85, %mul3A_98 : i32
        %add3A_100 = arith.constant 8192 : i32
        %add3A_101 = arith.addi %add3A_100, %mul3A_99 : i32
        %get3A_102 = arith.index_cast %add3A_101 : i32 to index
        %get3A_103 = tpu.vector_load %arg7[%get3A_102] {strides = array<i32>} : memref<16384xi32, #tpu.memory_space<vmem>>, vector<16xi32>,
        %mul3A_104 = arith.constant 16 : i32
        %mul3A_105 = arith.muli %scan3A_85, %mul3A_104 : i32
        %add3A_106 = arith.constant 12288 : i32
        %add3A_107 = arith.addi %add3A_106, %mul3A_105 : i32
        %get3A_108 = arith.index_cast %add3A_107 : i32 to index
        %get3A_109 = tpu.vector_load %arg7[%get3A_108] {strides = array<i32>} : memref<16384xi32, #tpu.memory_space<vmem>>, vector<16xi32>,
        %add3A_110 = arith.addi %get3A_91, %get3A_97 : vector<16xi32>
        %add3A_111 = arith.addi %add3A_110, %get3A_103 : vector<16xi32>
        %add3A_112 = arith.addi %add3A_111, %get3A_109 : vector<16xi32>
        %broadcast_in_dim3A = arith.constant true
        %broadcast_in_dim3A_113 = vector.broadcast %broadcast_in_dim3A : i1 to vector<16xi1>
        %masked_cumsum3A = tpu.scan <sum>, %add3A_112 masked %broadcast_in_dim3A_113 : vector<16xi32>, vector<16xi1> -> vector<16xi32>
        %sub3A = arith.subi %masked_cumsum3A, %add3A_112 : vector<16xi32>
        %add3A_114 = vector.broadcast %scan3A_86 : i32 to vector<16xi32>
        %add3A_115 = arith.addi %sub3A, %add3A_114 : vector<16xi32>
        %mul3A_116 = arith.constant 16 : i32
        %mul3A_117 = arith.muli %scan3A_85, %mul3A_116 : i32
        %add3A_118 = arith.constant 0 : i32
        %add3A_119 = arith.addi %add3A_118, %mul3A_117 : i32
        %swap3A = arith.index_cast %add3A_119 : i32 to index
        %swap3A_120 = tpu.vector_load %arg7[%swap3A] {strides = array<i32>} : memref<16384xi32, #tpu.memory_space<vmem>>, vector<16xi32>,
        tpu.vector_store %arg7[%swap3A], %add3A_115 {strides = array<i32>} : memref<16384xi32, #tpu.memory_space<vmem>>, vector<16xi32>,
        %add3A_121 = arith.addi %add3A_115, %get3A_91 : vector<16xi32>
        %mul3A_122 = arith.constant 16 : i32
        %mul3A_123 = arith.muli %scan3A_85, %mul3A_122 : i32
        %add3A_124 = arith.constant 4096 : i32
        %add3A_125 = arith.addi %add3A_124, %mul3A_123 : i32
        %swap3A_126 = arith.index_cast %add3A_125 : i32 to index
        %swap3A_127 = tpu.vector_load %arg7[%swap3A_126] {strides = array<i32>} : memref<16384xi32, #tpu.memory_space<vmem>>, vector<16xi32>,
        tpu.vector_store %arg7[%swap3A_126], %add3A_121 {strides = array<i32>} : memref<16384xi32, #tpu.memory_space<vmem>>, vector<16xi32>,
        %add3A_128 = arith.addi %add3A_115, %add3A_110 : vector<16xi32>
        %mul3A_129 = arith.constant 16 : i32
        %mul3A_130 = arith.muli %scan3A_85, %mul3A_129 : i32
        %add3A_131 = arith.constant 8192 : i32
        %add3A_132 = arith.addi %add3A_131, %mul3A_130 : i32
        %swap3A_133 = arith.index_cast %add3A_132 : i32 to index
        %swap3A_134 = tpu.vector_load %arg7[%swap3A_133] {strides = array<i32>} : memref<16384xi32, #tpu.memory_space<vmem>>, vector<16xi32>,
        tpu.vector_store %arg7[%swap3A_133], %add3A_128 {strides = array<i32>} : memref<16384xi32, #tpu.memory_space<vmem>>, vector<16xi32>,
        %add3A_135 = arith.addi %add3A_115, %add3A_111 : vector<16xi32>
        %mul3A_136 = arith.constant 16 : i32
        %mul3A_137 = arith.muli %scan3A_85, %mul3A_136 : i32
        %add3A_138 = arith.constant 12288 : i32
        %add3A_139 = arith.addi %add3A_138, %mul3A_137 : i32
        %swap3A_140 = arith.index_cast %add3A_139 : i32 to index
        %swap3A_141 = tpu.vector_load %arg7[%swap3A_140] {strides = array<i32>} : memref<16384xi32, #tpu.memory_space<vmem>>, vector<16xi32>,
        tpu.vector_store %arg7[%swap3A_140], %add3A_135 {strides = array<i32>} : memref<16384xi32, #tpu.memory_space<vmem>>, vector<16xi32>,
        %reduce_sum3A = arith.constant true
        %reduce_sum3A_142 = vector.broadcast %reduce_sum3A : i1 to vector<16xi1>
        %reduce_sum3A_143 = tpu.scan <sum>, %add3A_112 masked %reduce_sum3A_142 : vector<16xi32>, vector<16xi1> -> vector<16xi32>
        %reduce_sum3A_144 = vector.extract %reduce_sum3A_143[15] : i32 from vector<16xi32>
        %add3A_145 = arith.addi %scan3A_86, %reduce_sum3A_144 : i32
        scf.yield %add3A_145 : i32
      }
      %scan3A_78 = arith.constant 64 : i32
      %scan3A_79 = arith.constant 0 : i32
      %scan3A_80 = arith.constant 0 : i32
      %scan3A_81 = arith.constant 256 : i32
      %scan3A_82 = arith.addi %scan3A_80, %scan3A_81 : i32
      %scan3A_83 = arith.constant 1 : i32
      scf.for %scan3A_85 = %scan3A_80 to %scan3A_82 step %scan3A_83  : i32 {
        %mul3A_86 = arith.constant 16 : i32
        %mul3A_87 = arith.muli %scan3A_85, %mul3A_86 : i32
        %add3A_88 = arith.constant 0 : i32
        %add3A_89 = arith.addi %add3A_88, %mul3A_87 : i32
        %get3A = arith.index_cast %add3A_89 : i32 to index
        %get3A_90 = tpu.vector_load %arg4[%get3A] {strides = array<i32>} : memref<16384xi32, #tpu.memory_space<vmem>>, vector<16xi32>,
        %mul3A_91 = arith.constant 16 : i32
        %mul3A_92 = arith.muli %scan3A_85, %mul3A_91 : i32
        %add3A_93 = arith.constant 4096 : i32
        %add3A_94 = arith.addi %add3A_93, %mul3A_92 : i32
        %get3A_95 = arith.index_cast %add3A_94 : i32 to index
        %get3A_96 = tpu.vector_load %arg4[%get3A_95] {strides = array<i32>} : memref<16384xi32, #tpu.memory_space<vmem>>, vector<16xi32>,
        %mul3A_97 = arith.constant 16 : i32
        %mul3A_98 = arith.muli %scan3A_85, %mul3A_97 : i32
        %add3A_99 = arith.constant 8192 : i32
        %add3A_100 = arith.addi %add3A_99, %mul3A_98 : i32
        %get3A_101 = arith.index_cast %add3A_100 : i32 to index
        %get3A_102 = tpu.vector_load %arg4[%get3A_101] {strides = array<i32>} : memref<16384xi32, #tpu.memory_space<vmem>>, vector<16xi32>,
        %mul3A_103 = arith.constant 16 : i32
        %mul3A_104 = arith.muli %scan3A_85, %mul3A_103 : i32
        %add3A_105 = arith.constant 12288 : i32
        %add3A_106 = arith.addi %add3A_105, %mul3A_104 : i32
        %get3A_107 = arith.index_cast %add3A_106 : i32 to index
        %get3A_108 = tpu.vector_load %arg4[%get3A_107] {strides = array<i32>} : memref<16384xi32, #tpu.memory_space<vmem>>, vector<16xi32>,
        %bitcast3A = vector.bitcast %get3A_90 : vector<16xi32> to vector<16xi32>
        %shift_right_logical3A = arith.constant 14 : i32
        %shift_right_logical3A_109 = vector.broadcast %shift_right_logical3A : i32 to vector<16xi32>
        %shift_right_logical3A_110 = arith.shrui %bitcast3A, %shift_right_logical3A_109 : vector<16xi32>
        %bitcast3A_111 = vector.bitcast %shift_right_logical3A_110 : vector<16xi32> to vector<16xi32>
        %add3A_112 = arith.constant 0 : i32
        %add3A_113 = vector.broadcast %add3A_112 : i32 to vector<16xi32>
        %add3A_114 = arith.addi %bitcast3A_111, %add3A_113 : vector<16xi32>
        %bitcast3A_115 = vector.bitcast %get3A_96 : vector<16xi32> to vector<16xi32>
        %shift_right_logical3A_116 = arith.constant 14 : i32
        %shift_right_logical3A_117 = vector.broadcast %shift_right_logical3A_116 : i32 to vector<16xi32>
        %shift_right_logical3A_118 = arith.shrui %bitcast3A_115, %shift_right_logical3A_117 : vector<16xi32>
        %bitcast3A_119 = vector.bitcast %shift_right_logical3A_118 : vector<16xi32> to vector<16xi32>
        %add3A_120 = arith.constant 4096 : i32
        %add3A_121 = vector.broadcast %add3A_120 : i32 to vector<16xi32>
        %add3A_122 = arith.addi %bitcast3A_119, %add3A_121 : vector<16xi32>
        %bitcast3A_123 = vector.bitcast %get3A_102 : vector<16xi32> to vector<16xi32>
        %shift_right_logical3A_124 = arith.constant 14 : i32
        %shift_right_logical3A_125 = vector.broadcast %shift_right_logical3A_124 : i32 to vector<16xi32>
        %shift_right_logical3A_126 = arith.shrui %bitcast3A_123, %shift_right_logical3A_125 : vector<16xi32>
        %bitcast3A_127 = vector.bitcast %shift_right_logical3A_126 : vector<16xi32> to vector<16xi32>
        %add3A_128 = arith.constant 8192 : i32
        %add3A_129 = vector.broadcast %add3A_128 : i32 to vector<16xi32>
        %add3A_130 = arith.addi %bitcast3A_127, %add3A_129 : vector<16xi32>
        %bitcast3A_131 = vector.bitcast %get3A_108 : vector<16xi32> to vector<16xi32>
        %shift_right_logical3A_132 = arith.constant 14 : i32
        %shift_right_logical3A_133 = vector.broadcast %shift_right_logical3A_132 : i32 to vector<16xi32>
        %shift_right_logical3A_134 = arith.shrui %bitcast3A_131, %shift_right_logical3A_133 : vector<16xi32>
        %bitcast3A_135 = vector.bitcast %shift_right_logical3A_134 : vector<16xi32> to vector<16xi32>
        %add3A_136 = arith.constant 12288 : i32
        %add3A_137 = vector.broadcast %add3A_136 : i32 to vector<16xi32>
        %add3A_138 = arith.addi %bitcast3A_135, %add3A_137 : vector<16xi32>
        %broadcast_in_dim3A = arith.constant true
        %broadcast_in_dim3A_139 = vector.broadcast %broadcast_in_dim3A : i1 to vector<16xi1>
        %unique3A, %unique3A_140 = tpu.scan_count mask(%broadcast_in_dim3A_139 : vector<16xi1>) value(%add3A_114 : vector<16xi32>) : vector<16xi1>, vector<16xi32>
        %broadcast_in_dim3A_141 = arith.constant true
        %broadcast_in_dim3A_142 = vector.broadcast %broadcast_in_dim3A_141 : i1 to vector<16xi1>
        %unique3A_143, %unique3A_144 = tpu.scan_count mask(%broadcast_in_dim3A_142 : vector<16xi1>) value(%add3A_122 : vector<16xi32>) : vector<16xi1>, vector<16xi32>
        %broadcast_in_dim3A_145 = arith.constant true
        %broadcast_in_dim3A_146 = vector.broadcast %broadcast_in_dim3A_145 : i1 to vector<16xi1>
        %unique3A_147, %unique3A_148 = tpu.scan_count mask(%broadcast_in_dim3A_146 : vector<16xi1>) value(%add3A_130 : vector<16xi32>) : vector<16xi1>, vector<16xi32>
        %broadcast_in_dim3A_149 = arith.constant true
        %broadcast_in_dim3A_150 = vector.broadcast %broadcast_in_dim3A_149 : i1 to vector<16xi1>
        %unique3A_151, %unique3A_152 = tpu.scan_count mask(%broadcast_in_dim3A_150 : vector<16xi1>) value(%add3A_138 : vector<16xi32>) : vector<16xi1>, vector<16xi32>
        %gather3A = tpu.vector_load_idx %arg7[%add3A_114] : memref<16384xi32, #tpu.memory_space<vmem>>[vector<16xi32>], vector<16xi32>,
        %gather3A_153 = tpu.vector_load_idx %arg7[%add3A_122] : memref<16384xi32, #tpu.memory_space<vmem>>[vector<16xi32>], vector<16xi32>,
        %gather3A_154 = tpu.vector_load_idx %arg7[%add3A_130] : memref<16384xi32, #tpu.memory_space<vmem>>[vector<16xi32>], vector<16xi32>,
        %gather3A_155 = tpu.vector_load_idx %arg7[%add3A_138] : memref<16384xi32, #tpu.memory_space<vmem>>[vector<16xi32>], vector<16xi32>,
        %add3A_156 = arith.addi %gather3A, %unique3A_140 : vector<16xi32>
        %add3A_157 = arith.addi %gather3A_153, %unique3A_144 : vector<16xi32>
        %add3A_158 = arith.addi %gather3A_154, %unique3A_148 : vector<16xi32>
        %add3A_159 = arith.addi %gather3A_155, %unique3A_152 : vector<16xi32>
        %add3A_160 = arith.addi %gather3A, %unique3A_140 : vector<16xi32>
        tpu.vector_store_idx %arg7[%add3A_114], %add3A_160 masked %unique3A : memref<16384xi32, #tpu.memory_space<vmem>>[vector<16xi32>], vector<16xi32>, vector<16xi1>
        %add3A_161 = arith.addi %gather3A_153, %unique3A_144 : vector<16xi32>
        tpu.vector_store_idx %arg7[%add3A_122], %add3A_161 masked %unique3A_143 : memref<16384xi32, #tpu.memory_space<vmem>>[vector<16xi32>], vector<16xi32>, vector<16xi1>
        %add3A_162 = arith.addi %gather3A_154, %unique3A_148 : vector<16xi32>
        tpu.vector_store_idx %arg7[%add3A_130], %add3A_162 masked %unique3A_147 : memref<16384xi32, #tpu.memory_space<vmem>>[vector<16xi32>], vector<16xi32>, vector<16xi1>
        %add3A_163 = arith.addi %gather3A_155, %unique3A_152 : vector<16xi32>
        tpu.vector_store_idx %arg7[%add3A_138], %add3A_163 masked %unique3A_151 : memref<16384xi32, #tpu.memory_space<vmem>>[vector<16xi32>], vector<16xi32>, vector<16xi1>
        %add3A_164 = arith.constant 1 : i32
        %add3A_165 = vector.broadcast %add3A_164 : i32 to vector<16xi32>
        %add3A_166 = arith.addi %add3A_156, %add3A_165 : vector<16xi32>
        %convert_element_type3A = arith.sitofp %add3A_166 : vector<16xi32> to vector<16xf32>
        %mul3A_167 = arith.constant 6.10314309E-5 : f32
        %mul3A_168 = vector.broadcast %mul3A_167 : f32 to vector<16xf32>
        %mul3A_169 = arith.mulf %convert_element_type3A, %mul3A_168 : vector<16xf32>
        %bitcast3A_170 = vector.bitcast %mul3A_169 : vector<16xf32> to vector<16xi32>
        %and3A = arith.constant 16383 : i32
        %and3A_171 = vector.broadcast %and3A : i32 to vector<16xi32>
        %and3A_172 = arith.andi %get3A_90, %and3A_171 : vector<16xi32>
        tpu.vector_store_idx %arg5[%and3A_172], %bitcast3A_170 : memref<16384xi32, #tpu.memory_space<vmem>>[vector<16xi32>], vector<16xi32>,
        %add3A_173 = arith.constant 1 : i32
        %add3A_174 = vector.broadcast %add3A_173 : i32 to vector<16xi32>
        %add3A_175 = arith.addi %add3A_157, %add3A_174 : vector<16xi32>
        %convert_element_type3A_176 = arith.sitofp %add3A_175 : vector<16xi32> to vector<16xf32>
        %mul3A_177 = arith.constant 6.10314309E-5 : f32
        %mul3A_178 = vector.broadcast %mul3A_177 : f32 to vector<16xf32>
        %mul3A_179 = arith.mulf %convert_element_type3A_176, %mul3A_178 : vector<16xf32>
        %bitcast3A_180 = vector.bitcast %mul3A_179 : vector<16xf32> to vector<16xi32>
        %and3A_181 = arith.constant 16383 : i32
        %and3A_182 = vector.broadcast %and3A_181 : i32 to vector<16xi32>
        %and3A_183 = arith.andi %get3A_96, %and3A_182 : vector<16xi32>
        tpu.vector_store_idx %arg5[%and3A_183], %bitcast3A_180 : memref<16384xi32, #tpu.memory_space<vmem>>[vector<16xi32>], vector<16xi32>,
        %add3A_184 = arith.constant 1 : i32
        %add3A_185 = vector.broadcast %add3A_184 : i32 to vector<16xi32>
        %add3A_186 = arith.addi %add3A_158, %add3A_185 : vector<16xi32>
        %convert_element_type3A_187 = arith.sitofp %add3A_186 : vector<16xi32> to vector<16xf32>
        %mul3A_188 = arith.constant 6.10314309E-5 : f32
        %mul3A_189 = vector.broadcast %mul3A_188 : f32 to vector<16xf32>
        %mul3A_190 = arith.mulf %convert_element_type3A_187, %mul3A_189 : vector<16xf32>
        %bitcast3A_191 = vector.bitcast %mul3A_190 : vector<16xf32> to vector<16xi32>
        %and3A_192 = arith.constant 16383 : i32
        %and3A_193 = vector.broadcast %and3A_192 : i32 to vector<16xi32>
        %and3A_194 = arith.andi %get3A_102, %and3A_193 : vector<16xi32>
        tpu.vector_store_idx %arg5[%and3A_194], %bitcast3A_191 : memref<16384xi32, #tpu.memory_space<vmem>>[vector<16xi32>], vector<16xi32>,
        %add3A_195 = arith.constant 1 : i32
        %add3A_196 = vector.broadcast %add3A_195 : i32 to vector<16xi32>
        %add3A_197 = arith.addi %add3A_159, %add3A_196 : vector<16xi32>
        %convert_element_type3A_198 = arith.sitofp %add3A_197 : vector<16xi32> to vector<16xf32>
        %mul3A_199 = arith.constant 6.10314309E-5 : f32
        %mul3A_200 = vector.broadcast %mul3A_199 : f32 to vector<16xf32>
        %mul3A_201 = arith.mulf %convert_element_type3A_198, %mul3A_200 : vector<16xf32>
        %bitcast3A_202 = vector.bitcast %mul3A_201 : vector<16xf32> to vector<16xi32>
        %and3A_203 = arith.constant 16383 : i32
        %and3A_204 = vector.broadcast %and3A_203 : i32 to vector<16xi32>
        %and3A_205 = arith.andi %get3A_108, %and3A_204 : vector<16xi32>
        tpu.vector_store_idx %arg5[%and3A_205], %bitcast3A_202 : memref<16384xi32, #tpu.memory_space<vmem>>[vector<16xi32>], vector<16xi32>,
      }
      %scan3A_84 = arith.constant 256 : i32
      "tpu.region"() ({
        %run_scoped3A = tpu.sem_alloc : memref<!tpu.dma_semaphore, #tpu.memory_space<semaphore_mem>>
        %dma_start3A = arith.constant 0 : i32
        %dma_start3A_85 = tpu.memref_slice %arg3[%add3A_9, %dma_start3A] : memref<256x16384xi32, #tpu.memory_space<hbm>> -> memref<1x16384xi32, #tpu.memory_space<hbm>>
        %dma_start3A_86 = tpu.memref_squeeze %dma_start3A_85 : memref<1x16384xi32, #tpu.memory_space<hbm>> -> memref<16384xi32, #tpu.memory_space<hbm>>
        %dma_start3A_87 = arith.constant 0 : i32
        %dma_start3A_88 = tpu.memref_slice %arg3[%add3A_9, %dma_start3A_87] : memref<256x16384xi32, #tpu.memory_space<hbm>> -> memref<1x16384xi32, #tpu.memory_space<hbm>>
        %dma_start3A_89 = tpu.memref_squeeze %dma_start3A_88 : memref<1x16384xi32, #tpu.memory_space<hbm>> -> memref<16384xi32, #tpu.memory_space<hbm>>
        tpu.enqueue_dma source(%arg5 : memref<16384xi32, #tpu.memory_space<vmem>>) target(%dma_start3A_89 : memref<16384xi32, #tpu.memory_space<hbm>>) target_semaphore(%run_scoped3A : memref<!tpu.dma_semaphore, #tpu.memory_space<semaphore_mem>>)
        %dma_wait3A = arith.constant 0 : i32
        %dma_wait3A_90 = tpu.memref_slice %arg3[%add3A_9, %dma_wait3A] : memref<256x16384xi32, #tpu.memory_space<hbm>> -> memref<1x16384xi32, #tpu.memory_space<hbm>>
        %dma_wait3A_91 = tpu.memref_squeeze %dma_wait3A_90 : memref<1x16384xi32, #tpu.memory_space<hbm>> -> memref<16384xi32, #tpu.memory_space<hbm>>
        %dma_wait3A_92 = arith.constant 0 : i32
        %dma_wait3A_93 = tpu.memref_slice %arg3[%add3A_9, %dma_wait3A_92] : memref<256x16384xi32, #tpu.memory_space<hbm>> -> memref<1x16384xi32, #tpu.memory_space<hbm>>
        %dma_wait3A_94 = tpu.memref_squeeze %dma_wait3A_93 : memref<1x16384xi32, #tpu.memory_space<hbm>> -> memref<16384xi32, #tpu.memory_space<hbm>>
        tpu.wait_dma2 semaphore(%run_scoped3A : memref<!tpu.dma_semaphore, #tpu.memory_space<semaphore_mem>>) src(%arg5 : memref<16384xi32, #tpu.memory_space<vmem>>) dst(%dma_wait3A_94 : memref<16384xi32, #tpu.memory_space<hbm>>)
        tpu.yield
      }) : () -> ()
    }
    %scan3A_5 = arith.constant 8 : i32
    return
  }
}

</mosaic_0001>

<sc_bundles>
// kernel: _rank_columns.3.cloned.1.call-start
scs
__scs_entry_jumppad:
0x0: {  	(pc) =	sbr.rel $0x88, $3  }
0x1: {  	(tag) =	ssettag $0x0;
	lr =	simm.s32 $0x1  }
0x2: {  	[smem:$0x3FA0] =	sst lr;
	_ =	strace $0xD0000000  }
0x3: {  	_ = 	snop  }
0x4: {  	_ = 	snop  }
0x5: {  	_ = 	snop  }
0x6: {  	_ = 	snop  }
0x7: {  	_ = 	snop  }
__scs_overlays_trampoline_lowered:
0x8: {  	[smem:$0x3FAF] =	sst s0  }
0x9: {  	[smem:$0x3FB0] =	sst s1  }
0xa: {  	[smem:$0x3FB1] =	sst s2  }
0xb: {  	[smem:$0x3FB2] =	sst s3  }
0xc: {  	[smem:$0x3FB3] =	sst s4  }
0xd: {  	[smem:$0x3FB4] =	sst s5  }
0xe: {  	[smem:$0x3FB5] =	sst s6  }
0xf: {  	[smem:$0x3FB6] =	sst s7  }
0x10: {  	[smem:$0x3FB7] =	sst s8  }
0x11: {  	[smem:$0x3FB8] =	sst s9;
	s0 =	simm.s32 @!p0 $0x0  }
0x12: {  	s1 =	sld [smem:$0x3F9E];
	s0 =	simm.s32 @p0 $0x1  }
0x13: {  	[smem:$0x3FB9] =	sst s0;
	s0 =	simm.s32 @!p1 $0x0  }
0x14: {  	s2 =	sld [smem:$0x3F9D];
	s0 =	simm.s32 @p1 $0x1  }
0x15: {  	[smem:$0x3FBA] =	sst s0;
	s0 =	simm.s32 @!p2 $0x0  }
0x16: {  	s3 =	sld [smem:$0x3FDB];
	s0 =	simm.s32 @p2 $0x1  }
0x17: {  	s4 =	simm.s32 $0x1BF5;
	[smem:$0x3FBC] =	sst s0  }
0x18: {  	s0 =	sld [smem:$0x3F9F];
	_ =	swait.ge [sflag:s4], $0x0  }
0x19: {  	s7 =	sld [smem:$0x3FA0]  }
0x1a: {  	s8 =	sadd.s32 $0xFFFFE003, lr  }
0x1b: {  	s9 =	sadd.s32 $0xFFFFFEF7, lr;
	s5 =	simm.s32 $0xFFFFFFFF;
	p2 =	slt.u32 s8, $0xFFFFF086  }
0x1c: {  	p1 =	slt.u32 s9, $0xF7A;
	s5 =	simm.s32 @!p2 $0x0  }
0x1d: {  	s5 =	simm.s32 @p1 $0x1;
	p0 =	seq.s32 s7, s2  }
0x1e: {  	s7 =	smul.u32 @!p0 $0xF7A, s2;
	p2 =	seq.s32 @!p0 s5, $0x0  }
0x1f: {  	s9 =	smul.u32 $0xF7A, s1;
	s8 =	simm.s32 @!p0 $0x1BF5;
	p2 =	por !p2, p0  }
0x20: {  	[sflag:s8] =	ssyncset.s32 @!p0 $0xFFFFF086;
	s6 =	sadd.s32 @!p0 s3, s7;
	s7 =	simm.s32 @!p0 $0x108  }
0x21: {  	s3 =	sadd.s32 s3, s9;
	s6 =	sadd.s32 @!p0 $0x88, s6;
	s7 =	simm.s32 @p2 $0x1082  }
0x22: {  	[simem:s7], [sflag:s8] =	dma.local @!p0 [hbm:s6], $0xF7A  }
0x23: {  	s9 =	sor.u32 $0xD0000000, s2;
	s6 =	simm.s32 $0x108;
	_ =	swait.ge @!p0 [sflag:s8], $0x0  }
0x24: {  	s3 =	sadd.s32 $0x88, s3;
	s6 =	simm.s32 @!p1 $0x1082;
	[sflag:s4] =	ssyncset.s32 $0xFFFFF086  }
0x25: {  	[simem:s6], [sflag:s4] =	dma.local [hbm:s3], $0xF7A  }
0x26: {  	[smem:$0x3FA0] =	sst s1;
	(tag) =	ssettag s2;
	_ =	strace s9  }
0x27: {  	s1 =	sld [smem:$0x3FB0]  }
0x28: {  	s2 =	sld [smem:$0x3FB1]  }
0x29: {  	s4 =	sld [smem:$0x3FB3]  }
0x2a: {  	p0 =	seq.s32 s5, $0x0;
	s5 =	sld [smem:$0x3FB4]  }
0x2b: {  	s6 =	sld [smem:$0x3FB5]  }
0x2c: {  	s7 =	sld [smem:$0x3FB6]  }
0x2d: {  	s3 =	simm.s32 $0x108;
	s8 =	sld [smem:$0x3FB7]  }
0x2e: {  	s3 =	simm.s32 @!p0 $0x1082;
	s9 =	sld [smem:$0x3FB8]  }
0x2f: {  	lr =	sadd.s32 s0, s3;
	s0 =	sld [smem:$0x3FAF]  }
0x30: {  	s3 =	sld [smem:$0x3FB2]  }
0x31: {  	[smem:$0x3FBB] =	sst s10  }
0x32: {  	s10 =	sld [smem:$0x3FB9];
	_ =	sdelay $0x3  }
0x33: {  	p0 =	seq.s32 s10, $0x1;
	s10 =	sld [smem:$0x3FBB];
	_ =	sdelay $0x3  }
0x34: {  	[smem:$0x3FBB] =	sst s10  }
0x35: {  	s10 =	sld [smem:$0x3FBA];
	_ =	sdelay $0x3  }
0x36: {  	p1 =	seq.s32 s10, $0x1;
	s10 =	sld [smem:$0x3FBB];
	_ =	sdelay $0x3  }
0x37: {  	[smem:$0x3FBB] =	sst s10  }
0x38: {  	s10 =	sld [smem:$0x3FBC]  }
0x39: {  	_ = 	snop;
	(pc) =	sbr.ind lr, $3  }
0x3a: {  	_ = 	snop  }
0x3b: {  	_ = 	snop  }
0x3c: {  	p2 =	seq.s32 s10, $0x1;
	s10 =	sld [smem:$0x3FBB]  }
0x3d: {  	_ =	shalt  }
0x3e: {  	_ =	shalt  }
0x3f: {  	_ =	shalt  }
0x40: {  	_ =	shalt  }
0x41: {  	_ =	shalt  }
0x42: {  	_ =	shalt  }
0x43: {  	_ =	shalt  }
0x44: {  	_ =	shalt  }
0x45: {  	_ =	shalt  }
0x46: {  	_ =	shalt  }
0x47: {  	_ =	shalt  }
0x48: {  	_ =	shalt  }
0x49: {  	_ =	shalt  }
0x4a: {  	_ =	shalt  }
0x4b: {  	_ =	shalt  }
0x4c: {  	_ =	shalt  }
0x4d: {  	_ =	shalt  }
0x4e: {  	_ =	shalt  }
0x4f: {  	_ =	shalt  }
0x50: {  	_ =	shalt  }
0x51: {  	_ =	shalt  }
0x52: {  	_ =	shalt  }
0x53: {  	_ =	shalt  }
0x54: {  	_ =	shalt  }
0x55: {  	_ =	shalt  }
0x56: {  	_ =	shalt  }
0x57: {  	_ =	shalt  }
0x58: {  	_ =	shalt  }
0x59: {  	_ =	shalt  }
0x5a: {  	_ =	shalt  }
0x5b: {  	_ =	shalt  }
0x5c: {  	_ =	shalt  }
0x5d: {  	_ =	shalt  }
0x5e: {  	_ =	shalt  }
0x5f: {  	_ =	shalt  }
0x60: {  	_ =	shalt  }
0x61: {  	_ =	shalt  }
0x62: {  	_ =	shalt  }
0x63: {  	_ =	shalt  }
0x64: {  	_ =	shalt  }
0x65: {  	_ =	shalt  }
0x66: {  	_ =	shalt  }
0x67: {  	_ =	shalt  }
0x68: {  	_ =	shalt  }
0x69: {  	_ =	shalt  }
0x6a: {  	_ =	shalt  }
0x6b: {  	_ =	shalt  }
0x6c: {  	_ =	shalt  }
0x6d: {  	_ =	shalt  }
0x6e: {  	_ =	shalt  }
0x6f: {  	_ =	shalt  }
0x70: {  	_ =	shalt  }
0x71: {  	_ =	shalt  }
0x72: {  	_ =	shalt  }
0x73: {  	_ =	shalt  }
0x74: {  	_ =	shalt  }
0x75: {  	_ =	shalt  }
0x76: {  	_ =	shalt  }
0x77: {  	_ =	shalt  }
0x78: {  	_ =	shalt  }
0x79: {  	_ =	shalt  }
0x7a: {  	_ =	shalt  }
0x7b: {  	_ =	shalt  }
0x7c: {  	_ =	shalt  }
0x7d: {  	_ =	shalt  }
0x7e: {  	_ =	shalt  }
0x7f: {  	_ =	shalt  }
0x80: {  	_ =	shalt  }
0x81: {  	_ =	shalt  }
0x82: {  	_ =	shalt  }
0x83: {  	_ =	shalt  }
0x84: {  	_ =	shalt  }
0x85: {  	_ =	shalt  }
0x86: {  	_ =	shalt  }
0x87: {  	_ =	shalt  }
.Lfunc_end0:
.L_simem_size_0:
called_computation_lowered:
.L_overlay_start_0:
0x88: {  	s2 =	sld [smem:$0x3FD9]  }
0x89: {  	s3 =	sld [smem:$0x3FFE];
	_ =	sdelay $0x1  }
0x8a: {  	s1 =	srdreg.scid  }
0x8b: {  	s0 =	sand.u32 $0x1, s1  }
0x8c: {  	s17 =	sshll.u32 s0, $0xA;
	s2 =	sadd.s32 s3, s2  }
0x8d: {  	s2 =	sadd.s32 s2, s17  }
0x8e: {  	[smem:$0x3FC7] =	sst s2  }
0x8f: {  	_ = 	snop  }
0x90: {  	s2 =	sld [smem:$0x3FD0];
	(tm) =	ssettm $0x1  }
0x91: {  	s18 =	sld [smem:$0x3FFB];
	_ =	sdelay $0x3  }
0x92: {  	_ =	strace s18  }
0x93: {  	s3 =	sld [smem:$0x3FFC];
	_ =	sdelay $0x3  }
0x94: {  	_ =	strace s3  }
0x95: {  	s3 =	sld [smem:$0x3FFD];
	_ =	sdelay $0x3  }
0x96: {  	_ =	strace s3  }
0x97: {  	_ =	strace $0x8FFFFFFF  }
0x98: {  	s19 =	sld [smem:$0x3FDB];
	_ =	sdelay $0x1  }
0x99: {  	s4 =	simm.s32 $_scs_section_size  }
0x9a: {  	s5 =	simm.s32 $_size__tile_overlayer_lowered;
	s6 =	simm.s32 $_tile_overlayer_lowered  }
0x9b: {  	s22 =	simm.s32 $0x1BFF;
	s21 =	sshll.u32 s6, $0x1;
	s3 =	sadd.s32 s4, s19  }
0x9c: {  	s7 =	simm.s32 $0x0;
	s20 =	sshll.u32 s5, $0x1;
	s5 =	sadd.s32 s21, s3  }
0x9d: {  	[timem:s7], [sflag:s22] =	dma.local [hbm:s5], s20  }
0x9e: {  	_ =	swait.ge [sflag:s22], s20  }
0x9f: {  	s4 =	ssub.s32 $0x0, s20;
	[sflag:s22] =	ssyncset.done $0x0  }
0xa0: {  	[sflag:s22] =	ssyncadd.s32 s4;
	_ =	sdelay $0x1  }
0xa1: {  	s23 =	simm.s32 $0x1B8B  }
0xa2: {  	_ =	swait.ge [sflag:s23], $0x1  }
0xa3: {  	[sflag:s23] =	ssyncset.done $0x0  }
0xa4: {  	s25 =	simm.s32 $0x1B8E;
	s24 =	sld [smem:$0x3FFE];
	[sflag:s23] =	ssyncadd.s32 $0xFFFFFFFF  }
0xa5: {  	s26 =	simm.s32 $execute0_lowered;
	[smem:$0x3FD2] =	sst s25  }
0xa6: {  	s5 =	sshll.u32 s26, $0x1;
	_ =	strace $0x80000046;
	[dreg:$0x1] =	wrdreg $0xFFFFFFFF  }
0xa7: {  	s28 =	simm.s32 $_size_execute0_lowered;
	s3 =	sadd.s32 s3, s5;
	[dreg:$0x0] =	wrdreg $0x0  }
0xa8: {  	s5 =	sshll.u32 s28, $0x1;
	[dreg:$0x2] =	wrdreg s3  }
0xa9: {  	[dreg:$0x3] =	wrdreg s5  }
0xaa: {  	[dreg:$0x4] =	wrdreg $0xC0  }
0xab: {  	_ =	task [dreg:s7], $0x5FFFF  }
0xac: {  	[dreg:$0x1] =	wrdreg $0xFFFFFFFF  }
0xad: {  	[dreg:$0x0] =	wrdreg $0x60  }
0xae: {  	[dreg:$0x2] =	wrdreg s2  }
0xaf: {  	[dreg:$0x3] =	wrdreg s24  }
0xb0: {  	[dreg:$0x4] =	wrdreg $0x9  }
0xb1: {  	_ =	task.clear_ibuf [dreg:s7], $0x5FFFF;
	_ =	strace $0x90000046  }
0xb2: {  	s29 =	simm.s32 $0x9;
	_ =	strace $0x80000048  }
0xb3: {  	_ =	swait.ge [sflag:s29], $0x1  }
0xb4: {  	[sflag:s29] =	ssyncadd.s32 $0xFFFFFFFF  }
0xb5: {  	_ =	strace $0x90000048  }
0xb6: {  	_ =	sfence  }
0xb7: {  	s30 =	sld [smem:$0x0];
	_ =	sdelay $0x2  }
0xb8: {  	s31 =	sshll.u32 s1, $0xD;
	s1 =	sshrl.u32 s1, $0x2  }
0xb9: {  	s3 =	sand.u32 $0x4000, s31;
	s1 =	sadd.s32 s1, s30  }
0xba: {  	s0 =	sor.u32 s3, s0;
	s1 =	sshll.u32 s1, $0x11  }
0xbb: {  	s0 =	sor.u32 s1, s0  }
0xbc: {  	s0 =	sadd.s32 $0x8F2B, s0  }
0xbd: {  	[sflag:s0] =	ssyncadd.remote.s32 $0x1  }
0xbe: {  	_ =	sfence.sel $0xFFFF  }
0xbf: {  	[dreg:$0x0] =	wrdreg $0xFFFFFFFF;
	(pc) =	sbr.abs _section_cstart, $3  }
0xc0: {  	[dreg:$0x1] =	wrdreg $0xFFFFFFFF  }
0xc1: {  	_ =	task.clear_ibuf [dreg:s7], $0x2FFFF;
	_ =	strace $0x9FFFFFFF  }
0xc2: {  	(tm) =	ssettm $0x7FFFFFFF  }
0xc3: {  	_ =	shalt  }
tec
execute0_lowered:
.L_overlay_start_1:
0x0: {  	(tag) =	ssettag $0x1  }
0x1: {  	s1 =	rddreg [dreg:$0x0]  }
0x2: {  	s4 =	rddreg [dreg:$0x1]  }
0x3: {  	s3 =	srdreg.scid;
	s0 =	rddreg [dreg:$0x2];
	s2 =	simm.s32 $0x0  }
0x4: {  	s8 =	simm.s32 $0xC000;
	s9 =	simm.s32 $0x4000;
	s10 =	simm.s32 $0x8000  }
0x5: {  	s11 =	simm.s32 $0x10000;
	s12 =	simm.s32 $0x0;
	s5 =	sand.u32 $0x1, s3  }
0x6: {  	[smem:$0x7FF] =	sst s2;
	s3 =	stileid.u32;
	s6 =	ssub.s32 $0x2, s5  }
0x7: {  	s4 =	sadd.s32 $0x400, s4;
	_ =	strace $0x80000047;
	s7 =	sshrl.u32 s6, $0x1  }
0x8: {  	s31 =	sshll.u32 s3, $0x4;
	s5 =	sshll.u32 s5, $0x3;
	s6 =	ssub.s32 s6, s7  }
0x9: {  	v0 =	vimm.s32 $0x0;
	v1 =	vlaneseq.u32;
	s5 =	sor.u32 s5, s31;
	s7 =	simm.s32 $0x1;
	s6 =	smax.u32 s6, $0x1  }
.LBB2_1:
0xa: {  	s13 =	simm.s32 $0x0  }
.LBB2_2:
0xb: {  	s14 =	sadd.s32 s5, s13  }
0xc: {  	s14 =	sshll.u32 s14, $0xB  }
0xd: {  	s15 =	sadd.s32 s1, s14  }
0xe: {  	[tilespmem:s2], [sflag:$0x1] =	stream.linear.gather [hbm4b:s15+s2], $0x4000, $0x38;
	[tilespmem:$0x14000] =	vst v63  }
0xf: {  	_ =	swait.ge [sflag:s7], $0x4000  }
0x10: {  	[sflag:s7] =	ssyncset.done $0x0  }
0x11: {  	s15 =	simm.s32 $0xC040;
	[sflag:s7] =	ssyncadd.s32 $0xFFFFC000  }
0x12: {  	[tilespmem:s15+$0xFFFFFFC0] =	vst v0  }
0x13: {  	[tilespmem:s15+$0x30] =	vst v0  }
0x14: {  	[tilespmem:s15+$0x20] =	vst v0  }
0x15: {  	[tilespmem:s15+$0x10] =	vst v0  }
0x16: {  	[tilespmem:s15+$0x0] =	vst v0  }
0x17: {  	[tilespmem:s15+$0xFFFFFFF0] =	vst v0  }
0x18: {  	s16 =	simm.s32 $0x0;
	[tilespmem:s15+$0xFFFFFFE0] =	vst v0  }
.LBB2_3:
0x19: {  	s16 =	sadd.s32 $0x8, s16;
	[tilespmem:s15+$0xFFFFFFD0] =	vst v0;
	s15 =	sadd.s32 $0x80, s15  }
0x1a: {  	[tilespmem:s15+$0xFFFFFFC0] =	vst v0;
	p0 =	slt.u32 s16, $0x3F8  }
0x1b: {  	[tilespmem:s15+$0x30] =	vst v0  }
.Ltmp0:
0x1c: {  	[tilespmem:s15+$0x20] =	vst v0;
	(pc) =	sbr.rel @p0 .LBB2_3-.Ltmp0, $4  }
0x1d: {  	[tilespmem:s15+$0x10] =	vst v0  }
0x1e: {  	[tilespmem:s15+$0x0] =	vst v0  }
0x1f: {  	[tilespmem:s15+$0xFFFFFFF0] =	vst v0  }
0x20: {  	[tilespmem:s15+$0xFFFFFFE0] =	vst v0  }
0x21: {  	[tilespmem:s15+$0xFFFFFFD0] =	vst v0;
	s15 =	simm.s32 $0x0  }
.LBB2_5:
0x22: {  	s16 =	sshra.s32 s15, $0x2  }
0x23: {  	v2 =	vld [tilespmem:s16+$0x0]  }
0x24: {  	v3 =	vld [tilespmem:s16+$0x1000]  }
0x25: {  	v4 =	vld [tilespmem:s16+$0x2000]  }
0x26: {  	v5 =	vld [tilespmem:s16+$0x3000];
	_ =	sdelay $0x3  }
0x27: {  	v6 =	vshra.s32 v2, $0x1F;
	v55 =	vshra.s32 v3, $0x1F;
	v56 =	vshra.s32 v4, $0x1F  }
0x28: {  	v57 =	vshra.s32 v5, $0x1F;
	v2 =	vxor.u32 v2, v6;
	v3 =	vxor.u32 v3, v55  }
0x29: {  	v4 =	vxor.u32 v4, v56;
	v2 =	vand.u32 $0x7FF, v2;
	v7 =	vand.u32 $0x7FF, v3  }
0x2a: {  	v5 =	vxor.u32 v5, v57;
	v8 =	vand.u32 $0x7FF, v4;
	v7 =	vor.u32 $0x1000, v7;
	(xrf1) =	vunique.msk.u32 $0xffff, v2  }
0x2b: {  	v59 =	vand.u32 $0x7FF, v5;
	v58 =	vor.u32 $0x2000, v8;
	(xrf1) =	vunique.msk.u32 $0xffff, v7  }
0x2c: {  	v8 =	vor.u32 $0x3000, v59;
	(xrf1) =	vunique.msk.u32 $0xffff, v58  }
0x2d: {  	(xrf1) =	vunique.msk.u32 $0xffff, v8;
	_ =	sdelay $0x5  }
0x2e: {  	v3 =	vand.u32 $0x7, v3;
	v7 =	vand.u32 $0x17F8, v7  }
0x2f: {  	v4 =	vand.u32 $0x7, v4;
	v6 =	vand.u32 $0x27F8, v58;
	v3 =	vor.u32 v3, v7  }
0x30: {  	v5 =	vand.u32 $0x7, v5;
	v60 =	vand.u32 $0x37F8, v8;
	v4 =	vor.u32 v4, v6  }
0x31: {  	v5 =	vor.u32 v5, v60;
	_ =	sdelay $0x1  }
0x32: {  	v62 =	vld.idx.msk [tilespmem:v2+s8+$0x0], $0xffff;
	_, v61, vm0 =	vpop (xrf1)  }
0x33: {  	v9 =	vld.idx.msk [tilespmem:v3+s8+$0x0], $0xffff;
	_, v63, vm1 =	vpop (xrf1)  }
0x34: {  	v11 =	vld.idx.msk [tilespmem:v4+s8+$0x0], $0xffff;
	_, v10, vm2 =	vpop (xrf1)  }
0x35: {  	v13 =	vld.idx.msk [tilespmem:v5+s8+$0x0], $0xffff;
	_, v12, vm3 =	vpop (xrf1)  }
0x36: {  	p0 =	sne.s32 s15, $0x3FC0  }
.Ltmp1:
0x37: {  	v6 =	vadd.s32 v62, v61;
	(pc) =	sbr.rel @p0 .LBB2_5-.Ltmp1, $4  }
0x38: {  	[tilespmem:v2+s8+$0x0] =	vst.idx.msk vm0, v6;
	v2 =	vadd.s32 v9, v63  }
0x39: {  	[tilespmem:v3+s8+$0x0] =	vst.idx.msk vm1, v2;
	v2 =	vadd.s32 v11, v10  }
0x3a: {  	[tilespmem:v4+s8+$0x0] =	vst.idx.msk vm2, v2;
	v2 =	vadd.s32 v13, v12  }
0x3b: {  	s15 =	sadd.s32 $0x40, s15;
	[tilespmem:v5+s8+$0x0] =	vst.idx.msk vm3, v2  }
0x3c: {  	s17 =	simm.s32 $0x0  }
0x3d: {  	v3 =	vld [tilespmem:s17+$0xC000]  }
0x3e: {  	v2 =	vld [tilespmem:s17+$0xD000]  }
0x3f: {  	v4 =	vld [tilespmem:s17+$0xE000]  }
0x40: {  	v5 =	vld [tilespmem:s17+$0xF000];
	_ =	sdelay $0x2  }
0x41: {  	v6 =	vadd.s32 v3, v2  }
0x42: {  	v2 =	vadd.s32 v4, v6  }
0x43: {  	v4 =	vadd.s32 v5, v2  }
0x44: {  	(xrf0) =	vadd.scan.msk.s32 $0xffff, v4;
	_ =	sdelay $0x5  }
0x45: {  	v7, _, _ =	vpop (xrf0)  }
0x46: {  	s16 =	simm.s32 $0xFFFFFFFF;
	v4 =	vsub.s32 v7, v4;
	(v2sf) =	vpush v7, $0xF  }
0x47: {  	v4 =	vadd.s32 s16, v4  }
0x48: {  	s15 =	simm.s32 $0x10;
	[tilespmem:s17+$0xC000] =	vst v4;
	v5 =	vadd.s32 v2, v4  }
0x49: {  	v3 =	vadd.s32 v3, v4;
	v2 =	vld [tilespmem:s15+$0xC000];
	[tilespmem:s17+$0xF000] =	vst v5  }
0x4a: {  	v5 =	vld [tilespmem:s15+$0xF000];
	[tilespmem:s17+$0xD000] =	vst v3;
	v3 =	vadd.s32 v6, v4  }
0x4b: {  	v4 =	vld [tilespmem:s15+$0xD000];
	[tilespmem:s17+$0xE000] =	vst v3  }
0x4c: {  	v6 =	vld [tilespmem:s15+$0xE000];
	_ =	sdelay $0x3  }
0x4d: {  	v3 =	vadd.s32 v2, v4  }
0x4e: {  	v4 =	vadd.s32 v6, v3  }
0x4f: {  	v5 =	vadd.s32 v5, v4  }
0x50: {  	s17 =	simm.s32 $0x80;
	(xrf0) =	vadd.scan.msk.s32 $0xffff, v5  }
.LBB2_7:
0x51: {  	p0 =	sne.s32 s17, $0x1FC0;
	s18 =	smov.u32 s17;
	s17 =	sadd.s32 $0x40, s17  }
0x52: {  	s19 =	spop (v2sf)  }
0x53: {  	s16 =	sadd.s32 s16, s19;
	_ =	sdelay $0x2  }
0x54: {  	v6, _, _ =	vpop (xrf0)  }
0x55: {  	v5 =	vsub.s32 v6, v5;
	(v2sf) =	vpush v6, $0xF  }
0x56: {  	v5 =	vadd.s32 s16, v5  }
0x57: {  	s18 =	sshra.s32 s18, $0x2;
	[tilespmem:s15+$0xC000] =	vst v5;
	v6 =	vadd.s32 v2, v5;
	v3 =	vadd.s32 v3, v5;
	v4 =	vadd.s32 v4, v5  }
0x58: {  	v2 =	vld [tilespmem:s18+$0xC000];
	[tilespmem:s15+$0xF000] =	vst v4  }
0x59: {  	v5 =	vld [tilespmem:s18+$0xF000];
	[tilespmem:s15+$0xD000] =	vst v6  }
0x5a: {  	v4 =	vld [tilespmem:s18+$0xD000];
	[tilespmem:s15+$0xE000] =	vst v3;
	s15 =	smov.u32 s18  }
0x5b: {  	v6 =	vld [tilespmem:s15+$0xE000];
	_ =	sdelay $0x2  }
.Ltmp2:
0x5c: {  	(pc) =	sbr.rel @p0 .LBB2_7-.Ltmp2, $4  }
0x5d: {  	v3 =	vadd.s32 v2, v4  }
0x5e: {  	v4 =	vadd.s32 v6, v3  }
0x5f: {  	v5 =	vadd.s32 v5, v4  }
0x60: {  	(xrf0) =	vadd.scan.msk.s32 $0xffff, v5  }
0x61: {  	_ =	sdelay $0x4  }
0x62: {  	v6, _, _ =	vpop (xrf0)  }
0x63: {  	(v2sf) =	vpush v6, $0xF;
	_ =	sdelay $0x8  }
0x64: {  	s17 =	spop (v2sf)  }
0x65: {  	s16 =	sadd.s32 s16, s17;
	v5 =	vsub.s32 v6, v5  }
0x66: {  	v5 =	vadd.s32 s16, v5  }
0x67: {  	[tilespmem:s15+$0xC000] =	vst v5;
	v4 =	vadd.s32 v4, v5  }
0x68: {  	v2 =	vadd.s32 v2, v5;
	[tilespmem:s15+$0xF000] =	vst v4  }
0x69: {  	v3 =	vadd.s32 v3, v5;
	[tilespmem:s15+$0xD000] =	vst v2  }
0x6a: {  	s16 =	simm.s32 $0x2000;
	[tilespmem:s15+$0xE000] =	vst v3;
	s15 =	simm.s32 $0x0;
	s31 =	spop (v2sf)  }
.LBB2_9:
0x6b: {  	v2 =	vld [tilespmem:s16+$0xFFFFE000]  }
0x6c: {  	v3 =	vld [tilespmem:s16+$0xFFFFF000]  }
0x6d: {  	v4 =	vld [tilespmem:s16+$0x0]  }
0x6e: {  	v5 =	vld [tilespmem:s16+$0x1000];
	_ =	sdelay $0x3  }
0x6f: {  	v6 =	vshra.s32 v2, $0x1F  }
0x70: {  	v7 =	vshra.s32 v3, $0x1F;
	v8 =	vshra.s32 v4, $0x1F;
	v53 =	vshra.s32 v5, $0x1F  }
0x71: {  	v6 =	vor.u32 $0x80000000, v6;
	v51 =	vor.u32 $0x80000000, v7;
	v52 =	vor.u32 $0x80000000, v8  }
0x72: {  	v2 =	vxor.u32 v2, v6;
	v3 =	vxor.u32 v3, v51;
	v4 =	vxor.u32 v4, v52  }
0x73: {  	v6 =	vor.u32 $0x80000000, v53;
	v54 =	vand.u32 $0x7FF, v2;
	v55 =	vand.u32 $0x7FF, v3  }
0x74: {  	v5 =	vxor.u32 v5, v6;
	v57 =	vand.u32 $0x7FF, v4;
	v56 =	vor.u32 $0x1000, v55;
	(xrf1) =	vunique.msk.u32 $0xffff, v54  }
0x75: {  	v8 =	vor.u32 $0x2000, v57;
	v9 =	vand.u32 $0x7FF, v5;
	(xrf1) =	vunique.msk.u32 $0xffff, v56  }
0x76: {  	v9 =	vor.u32 $0x3000, v9;
	(xrf1) =	vunique.msk.u32 $0xffff, v8  }
0x77: {  	(xrf1) =	vunique.msk.u32 $0xffff, v9;
	_ =	sdelay $0x5  }
0x78: {  	v10 =	vand.u32 $0x7, v3;
	v6 =	vand.u32 $0x17F8, v56  }
0x79: {  	v58 =	vand.u32 $0x7, v4;
	v6 =	vor.u32 v10, v6;
	v8 =	vand.u32 $0x27F8, v8  }
0x7a: {  	v59 =	vand.u32 $0x7, v5;
	v8 =	vor.u32 v58, v8;
	v9 =	vand.u32 $0x37F8, v9  }
0x7b: {  	v9 =	vor.u32 v59, v9;
	_ =	sdelay $0x1  }
0x7c: {  	v11 =	vld.idx.msk [tilespmem:v54+s8+$0x0], $0xffff;
	_, v60, vm0 =	vpop (xrf1)  }
0x7d: {  	v13 =	vld.idx.msk [tilespmem:v6+s8+$0x0], $0xffff;
	_, v12, vm1 =	vpop (xrf1)  }
0x7e: {  	v15 =	vld.idx.msk [tilespmem:v8+s8+$0x0], $0xffff;
	_, v14, vm2 =	vpop (xrf1)  }
0x7f: {  	v17 =	vld.idx.msk [tilespmem:v9+s8+$0x0], $0xffff;
	_, v16, vm3 =	vpop (xrf1);
	_ =	sdelay $0x1  }
0x80: {  	v10 =	vadd.s32 v11, v60  }
0x81: {  	v61 =	vadd.s32 v13, v12;
	[tilespmem:v54+s8+$0x0] =	vst.idx.msk vm0, v10  }
0x82: {  	v62 =	vadd.s32 v15, v14;
	[tilespmem:v6+s8+$0x0] =	vst.idx.msk vm1, v61  }
0x83: {  	v63 =	vadd.s32 v17, v16;
	[tilespmem:v8+s8+$0x0] =	vst.idx.msk vm2, v62  }
0x84: {  	[tilespmem:v9+s8+$0x0] =	vst.idx.msk vm3, v63  }
0x85: {  	[tilespmem:v10+s9+$0x0] =	vst.idx.msk $0xffff, v2;
	v2 =	vor.u32 s15, v1  }
0x86: {  	s17 =	sadd.s32 $0x1000, s15;
	[tilespmem:v10+s10+$0x0] =	vst.idx.msk $0xffff, v2  }
0x87: {  	p0 =	sne.s32 s15, $0xFF0;
	v2 =	vor.u32 s17, v1;
	[tilespmem:v61+s9+$0x0] =	vst.idx.msk $0xffff, v3  }
.Ltmp3:
0x88: {  	s30 =	sadd.s32 $0x2000, s15;
	[tilespmem:v61+s10+$0x0] =	vst.idx.msk $0xffff, v2;
	(pc) =	sbr.rel @p0 .LBB2_9-.Ltmp3, $4  }
0x89: {  	v2 =	vor.u32 s30, v1;
	[tilespmem:v62+s9+$0x0] =	vst.idx.msk $0xffff, v4  }
0x8a: {  	s31 =	sadd.s32 $0x3000, s15;
	[tilespmem:v62+s10+$0x0] =	vst.idx.msk $0xffff, v2  }
0x8b: {  	v2 =	vor.u32 s31, v1;
	[tilespmem:v63+s9+$0x0] =	vst.idx.msk $0xffff, v5  }
0x8c: {  	s16 =	sadd.s32 $0x10, s16;
	s15 =	sadd.s32 $0x10, s15;
	[tilespmem:v63+s10+$0x0] =	vst.idx.msk $0xffff, v2  }
0x8d: {  	s15 =	simm.s32 $0x10040  }
0x8e: {  	[tilespmem:s15+$0xFFFFFFC0] =	vst v0  }
0x8f: {  	[tilespmem:s15+$0x30] =	vst v0  }
0x90: {  	[tilespmem:s15+$0x20] =	vst v0  }
0x91: {  	[tilespmem:s15+$0x10] =	vst v0  }
0x92: {  	[tilespmem:s15+$0x0] =	vst v0  }
0x93: {  	[tilespmem:s15+$0xFFFFFFF0] =	vst v0  }
0x94: {  	s16 =	simm.s32 $0x0;
	[tilespmem:s15+$0xFFFFFFE0] =	vst v0  }
.LBB2_11:
0x95: {  	s16 =	sadd.s32 $0x8, s16;
	[tilespmem:s15+$0xFFFFFFD0] =	vst v0;
	s15 =	sadd.s32 $0x80, s15  }
0x96: {  	[tilespmem:s15+$0xFFFFFFC0] =	vst v0;
	p0 =	slt.u32 s16, $0x3F8  }
0x97: {  	[tilespmem:s15+$0x30] =	vst v0  }
.Ltmp4:
0x98: {  	[tilespmem:s15+$0x20] =	vst v0;
	(pc) =	sbr.rel @p0 .LBB2_11-.Ltmp4, $4  }
0x99: {  	[tilespmem:s15+$0x10] =	vst v0  }
0x9a: {  	[tilespmem:s15+$0x0] =	vst v0  }
0x9b: {  	[tilespmem:s15+$0xFFFFFFF0] =	vst v0  }
0x9c: {  	[tilespmem:s15+$0xFFFFFFE0] =	vst v0  }
0x9d: {  	[tilespmem:s15+$0xFFFFFFD0] =	vst v0;
	s15 =	simm.s32 $0x0  }
.LBB2_13:
0x9e: {  	s16 =	sshra.s32 s15, $0x2  }
0x9f: {  	v2 =	vld [tilespmem:s16+$0x4000]  }
0xa0: {  	v3 =	vld [tilespmem:s16+$0x5000]  }
0xa1: {  	v4 =	vld [tilespmem:s16+$0x6000]  }
0xa2: {  	v5 =	vld [tilespmem:s16+$0x7000];
	_ =	sdelay $0x2  }
0xa3: {  	v2 =	vshrl.u32 v2, $0xB;
	v3 =	vshrl.u32 v3, $0xB  }
0xa4: {  	v4 =	vshrl.u32 v4, $0xB;
	v2 =	vand.u32 $0x7FF, v2;
	v6 =	vand.u32 $0x7FF, v3  }
0xa5: {  	v5 =	vshrl.u32 v5, $0xB;
	v7 =	vand.u32 $0x7FF, v4;
	v6 =	vor.u32 $0x1000, v6;
	(xrf1) =	vunique.msk.u32 $0xffff, v2  }
0xa6: {  	v8 =	vand.u32 $0x7FF, v5;
	v7 =	vor.u32 $0x2000, v7;
	(xrf1) =	vunique.msk.u32 $0xffff, v6  }
0xa7: {  	v8 =	vor.u32 $0x3000, v8;
	(xrf1) =	vunique.msk.u32 $0xffff, v7  }
0xa8: {  	(xrf1) =	vunique.msk.u32 $0xffff, v8;
	_ =	sdelay $0x5  }
0xa9: {  	v3 =	vand.u32 $0x7, v3;
	v6 =	vand.u32 $0x17F8, v6  }
0xaa: {  	v4 =	vand.u32 $0x7, v4;
	v59 =	vand.u32 $0x27F8, v7;
	v3 =	vor.u32 v3, v6  }
0xab: {  	v5 =	vand.u32 $0x7, v5;
	v60 =	vand.u32 $0x37F8, v8;
	v4 =	vor.u32 v4, v59  }
0xac: {  	v5 =	vor.u32 v5, v60;
	_ =	sdelay $0x1  }
0xad: {  	v62 =	vld.idx.msk [tilespmem:v2+s11+$0x0], $0xffff;
	_, v61, vm0 =	vpop (xrf1)  }
0xae: {  	v9 =	vld.idx.msk [tilespmem:v3+s11+$0x0], $0xffff;
	_, v63, vm1 =	vpop (xrf1)  }
0xaf: {  	v11 =	vld.idx.msk [tilespmem:v4+s11+$0x0], $0xffff;
	_, v10, vm2 =	vpop (xrf1)  }
0xb0: {  	v13 =	vld.idx.msk [tilespmem:v5+s11+$0x0], $0xffff;
	_, v12, vm3 =	vpop (xrf1)  }
0xb1: {  	p0 =	sne.s32 s15, $0x3FC0  }
.Ltmp5:
0xb2: {  	v6 =	vadd.s32 v61, v62;
	(pc) =	sbr.rel @p0 .LBB2_13-.Ltmp5, $4  }
0xb3: {  	[tilespmem:v2+s11+$0x0] =	vst.idx.msk vm0, v6;
	v2 =	vadd.s32 v9, v63  }
0xb4: {  	[tilespmem:v3+s11+$0x0] =	vst.idx.msk vm1, v2;
	v2 =	vadd.s32 v11, v10  }
0xb5: {  	[tilespmem:v4+s11+$0x0] =	vst.idx.msk vm2, v2;
	v2 =	vadd.s32 v13, v12  }
0xb6: {  	s15 =	sadd.s32 $0x40, s15;
	[tilespmem:v5+s11+$0x0] =	vst.idx.msk vm3, v2  }
0xb7: {  	s17 =	simm.s32 $0x0  }
0xb8: {  	v3 =	vld [tilespmem:s17+$0x10000]  }
0xb9: {  	v2 =	vld [tilespmem:s17+$0x11000]  }
0xba: {  	v4 =	vld [tilespmem:s17+$0x12000]  }
0xbb: {  	v5 =	vld [tilespmem:s17+$0x13000];
	_ =	sdelay $0x2  }
0xbc: {  	v6 =	vadd.s32 v3, v2  }
0xbd: {  	v2 =	vadd.s32 v4, v6  }
0xbe: {  	v4 =	vadd.s32 v5, v2  }
0xbf: {  	(xrf0) =	vadd.scan.msk.s32 $0xffff, v4;
	_ =	sdelay $0x5  }
0xc0: {  	v7, _, _ =	vpop (xrf0)  }
0xc1: {  	s16 =	simm.s32 $0xFFFFFFFF;
	v4 =	vsub.s32 v7, v4;
	(v2sf) =	vpush v7, $0xF  }
0xc2: {  	v4 =	vadd.s32 s16, v4  }
0xc3: {  	s15 =	simm.s32 $0x10;
	[tilespmem:s17+$0x10000] =	vst v4;
	v5 =	vadd.s32 v2, v4  }
0xc4: {  	v3 =	vadd.s32 v3, v4;
	v2 =	vld [tilespmem:s15+$0x10000];
	[tilespmem:s17+$0x13000] =	vst v5  }
0xc5: {  	v5 =	vld [tilespmem:s15+$0x13000];
	[tilespmem:s17+$0x11000] =	vst v3;
	v3 =	vadd.s32 v6, v4  }
0xc6: {  	v4 =	vld [tilespmem:s15+$0x11000];
	[tilespmem:s17+$0x12000] =	vst v3  }
0xc7: {  	v6 =	vld [tilespmem:s15+$0x12000];
	_ =	sdelay $0x3  }
0xc8: {  	v3 =	vadd.s32 v2, v4  }
0xc9: {  	v4 =	vadd.s32 v6, v3  }
0xca: {  	v5 =	vadd.s32 v5, v4  }
0xcb: {  	s17 =	simm.s32 $0x80;
	(xrf0) =	vadd.scan.msk.s32 $0xffff, v5  }
.LBB2_15:
0xcc: {  	p0 =	sne.s32 s17, $0x1FC0;
	s18 =	smov.u32 s17;
	s17 =	sadd.s32 $0x40, s17  }
0xcd: {  	s19 =	spop (v2sf)  }
0xce: {  	s16 =	sadd.s32 s16, s19;
	_ =	sdelay $0x2  }
0xcf: {  	v6, _, _ =	vpop (xrf0)  }
0xd0: {  	v5 =	vsub.s32 v6, v5;
	(v2sf) =	vpush v6, $0xF  }
0xd1: {  	v5 =	vadd.s32 s16, v5  }
0xd2: {  	s18 =	sshra.s32 s18, $0x2;
	[tilespmem:s15+$0x10000] =	vst v5;
	v6 =	vadd.s32 v2, v5;
	v3 =	vadd.s32 v3, v5;
	v4 =	vadd.s32 v4, v5  }
0xd3: {  	v2 =	vld [tilespmem:s18+$0x10000];
	[tilespmem:s15+$0x13000] =	vst v4  }
0xd4: {  	v5 =	vld [tilespmem:s18+$0x13000];
	[tilespmem:s15+$0x11000] =	vst v6  }
0xd5: {  	v4 =	vld [tilespmem:s18+$0x11000];
	[tilespmem:s15+$0x12000] =	vst v3;
	s15 =	smov.u32 s18  }
0xd6: {  	v6 =	vld [tilespmem:s15+$0x12000];
	_ =	sdelay $0x2  }
.Ltmp6:
0xd7: {  	(pc) =	sbr.rel @p0 .LBB2_15-.Ltmp6, $4  }
0xd8: {  	v3 =	vadd.s32 v2, v4  }
0xd9: {  	v4 =	vadd.s32 v6, v3  }
0xda: {  	v5 =	vadd.s32 v5, v4  }
0xdb: {  	(xrf0) =	vadd.scan.msk.s32 $0xffff, v5  }
0xdc: {  	_ =	sdelay $0x4  }
0xdd: {  	v6, _, _ =	vpop (xrf0)  }
0xde: {  	(v2sf) =	vpush v6, $0xF;
	_ =	sdelay $0x8  }
0xdf: {  	s17 =	spop (v2sf)  }
0xe0: {  	s16 =	sadd.s32 s16, s17;
	v5 =	vsub.s32 v6, v5  }
0xe1: {  	v5 =	vadd.s32 s16, v5  }
0xe2: {  	[tilespmem:s15+$0x10000] =	vst v5;
	v4 =	vadd.s32 v4, v5  }
0xe3: {  	v2 =	vadd.s32 v2, v5;
	[tilespmem:s15+$0x13000] =	vst v4  }
0xe4: {  	v3 =	vadd.s32 v3, v5;
	[tilespmem:s15+$0x11000] =	vst v2  }
0xe5: {  	[tilespmem:s15+$0x12000] =	vst v3;
	s15 =	simm.s32 $0x0;
	s31 =	spop (v2sf)  }
.LBB2_17:
0xe6: {  	s16 =	sshra.s32 s15, $0x2  }
0xe7: {  	v2 =	vld [tilespmem:s16+$0x4000]  }
0xe8: {  	v3 =	vld [tilespmem:s16+$0x5000]  }
0xe9: {  	v4 =	vld [tilespmem:s16+$0x6000]  }
0xea: {  	v5 =	vld [tilespmem:s16+$0x7000];
	_ =	sdelay $0x2  }
0xeb: {  	v6 =	vshrl.u32 v2, $0xB;
	v7 =	vshrl.u32 v3, $0xB  }
0xec: {  	v9 =	vshrl.u32 v4, $0xB;
	v6 =	vand.u32 $0x7FF, v6;
	v8 =	vand.u32 $0x7FF, v7  }
0xed: {  	v11 =	vshrl.u32 v5, $0xB;
	v10 =	vand.u32 $0x7FF, v9;
	v8 =	vor.u32 $0x1000, v8;
	(xrf1) =	vunique.msk.u32 $0xffff, v6  }
0xee: {  	v12 =	vand.u32 $0x7FF, v11;
	v10 =	vor.u32 $0x2000, v10;
	(xrf1) =	vunique.msk.u32 $0xffff, v8  }
0xef: {  	v12 =	vor.u32 $0x3000, v12;
	(xrf1) =	vunique.msk.u32 $0xffff, v10  }
0xf0: {  	(xrf1) =	vunique.msk.u32 $0xffff, v12;
	_ =	sdelay $0x5  }
0xf1: {  	v7 =	vand.u32 $0x7, v7;
	v8 =	vand.u32 $0x17F8, v8  }
0xf2: {  	v9 =	vand.u32 $0x7, v9;
	v54 =	vand.u32 $0x27F8, v10;
	v7 =	vor.u32 v7, v8  }
0xf3: {  	v56 =	vand.u32 $0x7, v11;
	v55 =	vand.u32 $0x37F8, v12;
	v8 =	vor.u32 v9, v54  }
0xf4: {  	v9 =	vor.u32 v56, v55  }
0xf5: {  	v57 =	vld [tilespmem:s16+$0x8000]  }
0xf6: {  	v13 =	vld.idx.msk [tilespmem:v6+s11+$0x0], $0xffff;
	_, v59, vm0 =	vpop (xrf1)  }
0xf7: {  	v15 =	vld.idx.msk [tilespmem:v7+s11+$0x0], $0xffff;
	_, v14, vm1 =	vpop (xrf1)  }
0xf8: {  	v17 =	vld.idx.msk [tilespmem:v8+s11+$0x0], $0xffff;
	_, v16, vm2 =	vpop (xrf1)  }
0xf9: {  	v19 =	vld.idx.msk [tilespmem:v9+s11+$0x0], $0xffff;
	_, v18, vm3 =	vpop (xrf1)  }
0xfa: {  	v58 =	vld [tilespmem:s16+$0x9000]  }
0xfb: {  	v20 =	vld [tilespmem:s16+$0xA000];
	v12 =	vadd.s32 v59, v13  }
0xfc: {  	v21 =	vld [tilespmem:s16+$0xB000];
	v60 =	vadd.s32 v14, v15;
	[tilespmem:v6+s11+$0x0] =	vst.idx.msk vm0, v12  }
0xfd: {  	v2 =	vshrl.u32 v2, $0x8;
	v61 =	vadd.s32 v16, v17;
	[tilespmem:v7+s11+$0x0] =	vst.idx.msk vm1, v60  }
0xfe: {  	p0 =	sne.s32 s15, $0x3FC0;
	v3 =	vshrl.u32 v3, $0x8;
	v2 =	vand.u32 $0xFFC000, v2;
	v62 =	vadd.s32 v18, v19;
	[tilespmem:v8+s11+$0x0] =	vst.idx.msk vm2, v61  }
.Ltmp7:
0xff: {  	v4 =	vshrl.u32 v4, $0x8;
	v3 =	vand.u32 $0xFFC000, v3;
	v2 =	vor.u32 v2, v57;
	[tilespmem:v9+s11+$0x0] =	vst.idx.msk vm3, v62;
	(pc) =	sbr.rel @p0 .LBB2_17-.Ltmp7, $4  }
0x100: {  	v63 =	vshrl.u32 v5, $0x8;
	[tilespmem:v12+s2+$0x0] =	vst.idx.msk $0xffff, v2;
	v2 =	vor.u32 v3, v58;
	v3 =	vand.u32 $0xFFC000, v4  }
0x101: {  	[tilespmem:v60+s2+$0x0] =	vst.idx.msk $0xffff, v2;
	v2 =	vor.u32 v3, v20;
	v3 =	vand.u32 $0xFFC000, v63  }
0x102: {  	[tilespmem:v61+s2+$0x0] =	vst.idx.msk $0xffff, v2;
	v2 =	vor.u32 v3, v21  }
0x103: {  	s15 =	sadd.s32 $0x40, s15;
	[tilespmem:v62+s2+$0x0] =	vst.idx.msk $0xffff, v2  }
0x104: {  	s15 =	simm.s32 $0xC040  }
0x105: {  	[tilespmem:s15+$0xFFFFFFC0] =	vst v0  }
0x106: {  	[tilespmem:s15+$0x30] =	vst v0  }
0x107: {  	[tilespmem:s15+$0x20] =	vst v0  }
0x108: {  	[tilespmem:s15+$0x10] =	vst v0  }
0x109: {  	[tilespmem:s15+$0x0] =	vst v0  }
0x10a: {  	[tilespmem:s15+$0xFFFFFFF0] =	vst v0  }
0x10b: {  	s16 =	simm.s32 $0x0;
	[tilespmem:s15+$0xFFFFFFE0] =	vst v0  }
.LBB2_19:
0x10c: {  	s16 =	sadd.s32 $0x8, s16;
	[tilespmem:s15+$0xFFFFFFD0] =	vst v0;
	s15 =	sadd.s32 $0x80, s15  }
0x10d: {  	[tilespmem:s15+$0xFFFFFFC0] =	vst v0;
	p0 =	slt.u32 s16, $0x3F8  }
0x10e: {  	[tilespmem:s15+$0x30] =	vst v0  }
.Ltmp8:
0x10f: {  	[tilespmem:s15+$0x20] =	vst v0;
	(pc) =	sbr.rel @p0 .LBB2_19-.Ltmp8, $4  }
0x110: {  	[tilespmem:s15+$0x10] =	vst v0  }
0x111: {  	[tilespmem:s15+$0x0] =	vst v0  }
0x112: {  	[tilespmem:s15+$0xFFFFFFF0] =	vst v0  }
0x113: {  	[tilespmem:s15+$0xFFFFFFE0] =	vst v0  }
0x114: {  	[tilespmem:s15+$0xFFFFFFD0] =	vst v0;
	s15 =	simm.s32 $0x0  }
.LBB2_21:
0x115: {  	s16 =	sshra.s32 s15, $0x2  }
0x116: {  	v2 =	vld [tilespmem:s16+$0x0]  }
0x117: {  	v3 =	vld [tilespmem:s16+$0x1000]  }
0x118: {  	v4 =	vld [tilespmem:s16+$0x2000]  }
0x119: {  	v5 =	vld [tilespmem:s16+$0x3000];
	_ =	sdelay $0x2  }
0x11a: {  	v2 =	vshrl.u32 v2, $0xE;
	v3 =	vshrl.u32 v3, $0xE  }
0x11b: {  	v4 =	vshrl.u32 v4, $0xE;
	v6 =	vadd.s32 $0x1000, v3;
	(xrf1) =	vunique.msk.u32 $0xffff, v2  }
0x11c: {  	v5 =	vshrl.u32 v5, $0xE;
	v7 =	vadd.s32 $0x2000, v4;
	(xrf1) =	vunique.msk.u32 $0xffff, v6  }
0x11d: {  	v8 =	vadd.s32 $0x3000, v5;
	(xrf1) =	vunique.msk.u32 $0xffff, v7  }
0x11e: {  	(xrf1) =	vunique.msk.u32 $0xffff, v8;
	_ =	sdelay $0x5  }
0x11f: {  	v3 =	vand.u32 $0x7, v3;
	v6 =	vand.u32 $0x7FFF8, v6  }
0x120: {  	v4 =	vand.u32 $0x7, v4;
	v59 =	vand.u32 $0x7FFF8, v7;
	v3 =	vor.u32 v3, v6  }
0x121: {  	v5 =	vand.u32 $0x7, v5;
	v60 =	vand.u32 $0x7FFF8, v8;
	v4 =	vor.u32 v4, v59  }
0x122: {  	v5 =	vor.u32 v5, v60;
	_ =	sdelay $0x1  }
0x123: {  	v62 =	vld.idx.msk [tilespmem:v2+s8+$0x0], $0xffff;
	_, v61, vm0 =	vpop (xrf1)  }
0x124: {  	v9 =	vld.idx.msk [tilespmem:v3+s8+$0x0], $0xffff;
	_, v63, vm1 =	vpop (xrf1)  }
0x125: {  	v11 =	vld.idx.msk [tilespmem:v4+s8+$0x0], $0xffff;
	_, v10, vm2 =	vpop (xrf1)  }
0x126: {  	v13 =	vld.idx.msk [tilespmem:v5+s8+$0x0], $0xffff;
	_, v12, vm3 =	vpop (xrf1)  }
0x127: {  	p0 =	sne.s32 s15, $0x3FC0  }
.Ltmp9:
0x128: {  	v6 =	vadd.s32 v61, v62;
	(pc) =	sbr.rel @p0 .LBB2_21-.Ltmp9, $4  }
0x129: {  	[tilespmem:v2+s8+$0x0] =	vst.idx.msk vm0, v6;
	v2 =	vadd.s32 v63, v9  }
0x12a: {  	[tilespmem:v3+s8+$0x0] =	vst.idx.msk vm1, v2;
	v2 =	vadd.s32 v10, v11  }
0x12b: {  	[tilespmem:v4+s8+$0x0] =	vst.idx.msk vm2, v2;
	v2 =	vadd.s32 v12, v13  }
0x12c: {  	s15 =	sadd.s32 $0x40, s15;
	[tilespmem:v5+s8+$0x0] =	vst.idx.msk vm3, v2  }
0x12d: {  	s17 =	simm.s32 $0x0  }
0x12e: {  	v3 =	vld [tilespmem:s17+$0xC000]  }
0x12f: {  	v2 =	vld [tilespmem:s17+$0xD000]  }
0x130: {  	v4 =	vld [tilespmem:s17+$0xE000]  }
0x131: {  	v5 =	vld [tilespmem:s17+$0xF000];
	_ =	sdelay $0x2  }
0x132: {  	v6 =	vadd.s32 v3, v2  }
0x133: {  	v2 =	vadd.s32 v4, v6  }
0x134: {  	v4 =	vadd.s32 v5, v2  }
0x135: {  	(xrf0) =	vadd.scan.msk.s32 $0xffff, v4;
	_ =	sdelay $0x5  }
0x136: {  	v7, _, _ =	vpop (xrf0)  }
0x137: {  	s16 =	simm.s32 $0xFFFFFFFF;
	v4 =	vsub.s32 v7, v4;
	(v2sf) =	vpush v7, $0xF  }
0x138: {  	v4 =	vadd.s32 s16, v4  }
0x139: {  	s15 =	simm.s32 $0x10;
	[tilespmem:s17+$0xC000] =	vst v4;
	v5 =	vadd.s32 v2, v4  }
0x13a: {  	v3 =	vadd.s32 v3, v4;
	v2 =	vld [tilespmem:s15+$0xC000];
	[tilespmem:s17+$0xF000] =	vst v5  }
0x13b: {  	v5 =	vld [tilespmem:s15+$0xF000];
	[tilespmem:s17+$0xD000] =	vst v3;
	v3 =	vadd.s32 v6, v4  }
0x13c: {  	v4 =	vld [tilespmem:s15+$0xD000];
	[tilespmem:s17+$0xE000] =	vst v3  }
0x13d: {  	v6 =	vld [tilespmem:s15+$0xE000];
	_ =	sdelay $0x3  }
0x13e: {  	v3 =	vadd.s32 v2, v4  }
0x13f: {  	v4 =	vadd.s32 v6, v3  }
0x140: {  	v5 =	vadd.s32 v5, v4  }
0x141: {  	s17 =	simm.s32 $0x80;
	(xrf0) =	vadd.scan.msk.s32 $0xffff, v5  }
.LBB2_23:
0x142: {  	p0 =	sne.s32 s17, $0xFC0;
	s18 =	smov.u32 s17;
	s17 =	sadd.s32 $0x40, s17  }
0x143: {  	s19 =	spop (v2sf)  }
0x144: {  	s16 =	sadd.s32 s16, s19;
	_ =	sdelay $0x2  }
0x145: {  	v6, _, _ =	vpop (xrf0)  }
0x146: {  	v5 =	vsub.s32 v6, v5;
	(v2sf) =	vpush v6, $0xF  }
0x147: {  	v5 =	vadd.s32 s16, v5  }
0x148: {  	s18 =	sshra.s32 s18, $0x2;
	[tilespmem:s15+$0xC000] =	vst v5;
	v6 =	vadd.s32 v2, v5;
	v3 =	vadd.s32 v3, v5;
	v4 =	vadd.s32 v4, v5  }
0x149: {  	v2 =	vld [tilespmem:s18+$0xC000];
	[tilespmem:s15+$0xF000] =	vst v4  }
0x14a: {  	v5 =	vld [tilespmem:s18+$0xF000];
	[tilespmem:s15+$0xD000] =	vst v6  }
0x14b: {  	v4 =	vld [tilespmem:s18+$0xD000];
	[tilespmem:s15+$0xE000] =	vst v3;
	s15 =	smov.u32 s18  }
0x14c: {  	v6 =	vld [tilespmem:s15+$0xE000];
	_ =	sdelay $0x2  }
.Ltmp10:
0x14d: {  	(pc) =	sbr.rel @p0 .LBB2_23-.Ltmp10, $4  }
0x14e: {  	v3 =	vadd.s32 v2, v4  }
0x14f: {  	v4 =	vadd.s32 v6, v3  }
0x150: {  	v5 =	vadd.s32 v5, v4  }
0x151: {  	(xrf0) =	vadd.scan.msk.s32 $0xffff, v5  }
0x152: {  	_ =	sdelay $0x4  }
0x153: {  	s17 =	spop (v2sf);
	v6, _, _ =	vpop (xrf0)  }
0x154: {  	s16 =	sadd.s32 s16, s17;
	v5 =	vsub.s32 v6, v5  }
0x155: {  	v5 =	vadd.s32 s16, v5  }
0x156: {  	[tilespmem:s15+$0xC000] =	vst v5;
	v4 =	vadd.s32 v4, v5  }
0x157: {  	v2 =	vadd.s32 v2, v5;
	[tilespmem:s15+$0xF000] =	vst v4  }
0x158: {  	v3 =	vadd.s32 v3, v5;
	[tilespmem:s15+$0xD000] =	vst v2  }
0x159: {  	s30 =	simm.s32 $0x0;
	[tilespmem:s15+$0xE000] =	vst v3  }
0x15a: {  	v3 =	vld [tilespmem:s30+$0x2000]  }
0x15b: {  	v2 =	vld [tilespmem:s30+$0x0]  }
0x15c: {  	v4 =	vld [tilespmem:s30+$0x1000];
	_ =	sdelay $0x1  }
0x15d: {  	v7 =	vld [tilespmem:s30+$0x3000];
	_ =	sdelay $0x1  }
0x15e: {  	v5 =	vshrl.u32 v3, $0xE;
	v8 =	vshrl.u32 v2, $0xE  }
0x15f: {  	v10 =	vshrl.u32 v4, $0xE;
	v9 =	vadd.s32 $0x2000, v5;
	(xrf1) =	vunique.msk.u32 $0xffff, v8  }
0x160: {  	v11 =	vadd.s32 $0x1000, v10;
	(xrf1) =	vunique.msk.u32 $0xffff, v9  }
0x161: {  	v12 =	vshrl.u32 v7, $0xE;
	(xrf1) =	vunique.msk.u32 $0xffff, v11  }
0x162: {  	v13 =	vadd.s32 $0x3000, v12  }
0x163: {  	(xrf1) =	vunique.msk.u32 $0xffff, v13;
	_ =	sdelay $0x2  }
0x164: {  	(v2sf) =	vpush v6, $0xF;
	v5 =	vand.u32 $0x7, v5;
	v9 =	vand.u32 $0x7FFF8, v9  }
0x165: {  	v49 =	vand.u32 $0x7, v10;
	v6 =	vand.u32 $0x7FFF8, v11;
	v5 =	vor.u32 v5, v9  }
0x166: {  	v51 =	vand.u32 $0x7, v12;
	v50 =	vand.u32 $0x7FFF8, v13;
	v6 =	vor.u32 v49, v6  }
0x167: {  	v9 =	vor.u32 v51, v50;
	_ =	sdelay $0x1  }
0x168: {  	v53 =	vld.idx.msk [tilespmem:v8+s8+$0x0], $0xffff  }
0x169: {  	v52 =	vld.idx.msk [tilespmem:v5+s8+$0x0], $0xffff  }
0x16a: {  	v55 =	vld.idx.msk [tilespmem:v6+s8+$0x0], $0xffff;
	_, v54, vm0 =	vpop (xrf1)  }
0x16b: {  	v15 =	vld.idx.msk [tilespmem:v9+s8+$0x0], $0xffff;
	_, v14, vm1 =	vpop (xrf1)  }
0x16c: {  	_, v16, vm2 =	vpop (xrf1)  }
0x16d: {  	v11 =	vadd.s32 v54, v53  }
0x16e: {  	v58 =	vadd.s32 $0x1, v11;
	_, v56, vm3 =	vpop (xrf1)  }
0x16f: {  	v59 =	vand.u32 $0x3FFF, v2;
	v3 =	vand.u32 $0x3FFF, v3;
	v2 =	vcvt.s32.f32 v58  }
0x170: {  	v10 =	vadd.s32 v14, v52;
	v57 =	vadd.s32 v16, v55;
	v60 =	vadd.s32 v56, v15  }
0x171: {  	v62 =	vmul.f32 $6.103143090e-05, v2;
	v2 =	vand.u32 $0x3FFF, v4;
	[tilespmem:v8+s8+$0x0] =	vst.idx.msk vm0, v11;
	v8 =	vadd.s32 $0x1, v57  }
0x172: {  	v17 =	vadd.s32 $0x1, v10;
	v8 =	vcvt.s32.f32 v8;
	[tilespmem:v6+s8+$0x0] =	vst.idx.msk vm2, v57;
	v6 =	vadd.s32 $0x1, v60  }
0x173: {  	v61 =	vcvt.s32.f32 v17;
	v4 =	vand.u32 $0x3FFF, v7;
	[tilespmem:v5+s8+$0x0] =	vst.idx.msk vm1, v10;
	v63 =	vcvt.s32.f32 v6  }
0x174: {  	v5 =	vmul.f32 $6.103143090e-05, v8;
	[tilespmem:v9+s8+$0x0] =	vst.idx.msk vm3, v60  }
0x175: {  	s15 =	simm.s32 $0x40;
	s31 =	spop (v2sf);
	v6 =	vmul.f32 $6.103143090e-05, v61;
	[tilespmem:v59+s9+$0x0] =	vst.idx.msk $0xffff, v62;
	v7 =	vmul.f32 $6.103143090e-05, v63  }
.LBB2_25:
0x176: {  	p0 =	sne.s32 s15, $0x3FC0;
	[tilespmem:v2+s9+$0x0] =	vst.idx.msk $0xffff, v5;
	s16 =	smov.u32 s15;
	s15 =	sadd.s32 $0x40, s15  }
0x177: {  	[tilespmem:v3+s9+$0x0] =	vst.idx.msk $0xffff, v6  }
0x178: {  	s16 =	sshra.s32 s16, $0x2;
	[tilespmem:v4+s9+$0x0] =	vst.idx.msk $0xffff, v7  }
0x179: {  	v3 =	vld [tilespmem:s16+$0x2000]  }
0x17a: {  	v2 =	vld [tilespmem:s16+$0x0]  }
0x17b: {  	v4 =	vld [tilespmem:s16+$0x1000]  }
0x17c: {  	v5 =	vld [tilespmem:s16+$0x3000];
	_ =	sdelay $0x1  }
0x17d: {  	v6 =	vshrl.u32 v3, $0xE  }
0x17e: {  	v7 =	vshrl.u32 v2, $0xE;
	v8 =	vadd.s32 $0x2000, v6  }
0x17f: {  	v9 =	vshrl.u32 v4, $0xE;
	(xrf1) =	vunique.msk.u32 $0xffff, v7  }
0x180: {  	v10 =	vadd.s32 $0x1000, v9;
	v11 =	vshrl.u32 v5, $0xE;
	(xrf1) =	vunique.msk.u32 $0xffff, v8  }
0x181: {  	v12 =	vadd.s32 $0x3000, v11;
	v13 =	vand.u32 $0x7FFF8, v10;
	(xrf1) =	vunique.msk.u32 $0xffff, v10  }
0x182: {  	v10 =	vand.u32 $0x7FFF8, v12;
	(xrf1) =	vunique.msk.u32 $0xffff, v12  }
0x183: {  	v6 =	vand.u32 $0x7, v6;
	v8 =	vand.u32 $0x7FFF8, v8  }
0x184: {  	v6 =	vor.u32 v6, v8;
	_ =	sdelay $0x1  }
0x185: {  	v8 =	vand.u32 $0x7, v9  }
0x186: {  	v8 =	vor.u32 v8, v13  }
0x187: {  	v9 =	vand.u32 $0x7, v11  }
0x188: {  	v9 =	vor.u32 v9, v10;
	v11 =	vld.idx.msk [tilespmem:v6+s8+$0x0], $0xffff;
	_ =	sdelay $0x1  }
0x189: {  	v10 =	vld.idx.msk [tilespmem:v7+s8+$0x0], $0xffff  }
0x18a: {  	v12 =	vld.idx.msk [tilespmem:v8+s8+$0x0], $0xffff  }
0x18b: {  	_, v13, vm0 =	vpop (xrf1)  }
0x18c: {  	v14 =	vld.idx.msk [tilespmem:v9+s8+$0x0], $0xffff;
	_, v15, vm1 =	vpop (xrf1)  }
0x18d: {  	v11 =	vadd.s32 v15, v11;
	_, v15, vm2 =	vpop (xrf1)  }
0x18e: {  	v16 =	vadd.s32 $0x1, v11;
	_, v17, vm3 =	vpop (xrf1)  }
0x18f: {  	v10 =	vadd.s32 v13, v10;
	v13 =	vcvt.s32.f32 v16  }
0x190: {  	v12 =	vadd.s32 v15, v12;
	v15 =	vadd.s32 $0x1, v10;
	v16 =	vand.u32 $0x3FFF, v2  }
0x191: {  	v2 =	vand.u32 $0x3FFF, v4;
	[tilespmem:v7+s8+$0x0] =	vst.idx.msk vm0, v10;
	v7 =	vcvt.s32.f32 v15;
	v10 =	vadd.s32 $0x1, v12  }
.Ltmp11:
0x192: {  	v3 =	vand.u32 $0x3FFF, v3;
	v14 =	vadd.s32 v17, v14;
	v10 =	vcvt.s32.f32 v10;
	(pc) =	sbr.rel @p0 .LBB2_25-.Ltmp11, $4  }
0x193: {  	v4 =	vand.u32 $0x3FFF, v5;
	[tilespmem:v8+s8+$0x0] =	vst.idx.msk vm2, v12;
	v7 =	vmul.f32 $6.103143090e-05, v7;
	v8 =	vadd.s32 $0x1, v14  }
0x194: {  	[tilespmem:v6+s8+$0x0] =	vst.idx.msk vm1, v11;
	v5 =	vmul.f32 $6.103143090e-05, v10;
	v8 =	vcvt.s32.f32 v8  }
0x195: {  	v6 =	vmul.f32 $6.103143090e-05, v13;
	[tilespmem:v9+s8+$0x0] =	vst.idx.msk vm3, v14  }
0x196: {  	[tilespmem:v16+s9+$0x0] =	vst.idx.msk $0xffff, v7;
	v7 =	vmul.f32 $6.103143090e-05, v8  }
0x197: {  	_ =	sdelay $0x3  }
0x198: {  	[tilespmem:v2+s9+$0x0] =	vst.idx.msk $0xffff, v5;
	s13 =	sadd.s32 $0x1, s13  }
0x199: {  	[tilespmem:v3+s9+$0x0] =	vst.idx.msk $0xffff, v6;
	p0 =	sne.s32 s13, $0x8  }
.Ltmp12:
0x19a: {  	s14 =	sadd.s32 s4, s14;
	[tilespmem:v4+s9+$0x0] =	vst.idx.msk $0xffff, v7;
	(pc) =	sbr.rel @p0 .LBB2_2-.Ltmp12, $4  }
0x19b: {  	[hbm4b:s14+s2] =	stream.linear.scatter [tilespmem:s9], [sflag:$0x1], $0x4000, $0x38;
	[tilespmem:$0x14000] =	vst v63  }
0x19c: {  	_ =	swait.ge [sflag:s7], $0x4000  }
0x19d: {  	[sflag:s7] =	ssyncset.done $0x0  }
0x19e: {  	[sflag:s7] =	ssyncadd.s32 $0xFFFFC000  }
0x19f: {  	s12 =	sadd.s32 $0x1, s12  }
0x1a0: {  	p0 =	sne.s32 s12, s6  }
.Ltmp13:
0x1a1: {  	_ = 	snop;
	(pc) =	sbr.rel @p0 .LBB2_1-.Ltmp13, $1  }
0x1a2: {  	_ =	sdelay $0x3  }
0x1a3: {  	_ =	sfence.sel $0x180000  }
0x1a4: {  	[bflag:$0x0] =	sbarrier.arrive $0xFFFF  }
0x1a5: {  	p0 =	sne.s32 s3, $0x0;
	_ =	strace $0x90000047  }
0x1a6: {  	s0 =	sadd.s32 @!p0 $0x100000, s0;
	[bflag:$0x2] =	sbarrier.arrive $0xFFFF  }
0x1a7: {  	[sflag:s0] =	ssyncadd.tile.s32 @!p0 $0x1;
	_ =	shalt  }
.Lfunc_end2:
_tile_overlayer_lowered:
.L_overlay_start_2:
0x1a8: {  	(tag) =	ssettag $0x2  }
0x1a9: {  	s0 =	rddreg [dreg:$0x0];
	s2 =	stileid.u32  }
0x1aa: {  	s1 =	rddreg [dreg:$0x1];
	p0 =	sne.s32 s2, $0x0  }
0x1ab: {  	s3 =	rddreg [dreg:$0x2];
	[bflag:$0x3] =	sbarrier.arrive $0xFFFF;
	s2 =	simm.s32 @!p0 $0x1C01  }
0x1ac: {  	[timem:s3], [sflag:s2] =	dma.local @!p0 [hbm:s0], s1  }
0x1ad: {  	s0 =	simm.s32 @!p0 $0x1  }
0x1ae: {  	_ =	swait.ge @!p0 [sflag:s0], s1  }
0x1af: {  	s1 =	ssub.s32 @!p0 $0x0, s1;
	[sflag:s0] =	ssyncset.done @!p0 $0x0  }
0x1b0: {  	[sflag:s0] =	ssyncadd.s32 @!p0 s1  }
0x1b1: {  	[bflag:$0x3] =	sbarrier.arrive $0xFFFF  }
0x1b2: {  	_ =	shalt  }

</sc_bundles>
